<compile_context>
chip_gen: v7x
topology: tpu7x:2x2x1
jax: 0.10.2.dev20260603
libtpu: 0.0.44.dev20260713+nightly
codegen_flags: <defaults>
</compile_context>

<pallas_src>
import functools

import jax
import jax.numpy as jnp
from jax import lax
from jax.experimental import pallas as pl
from jax.experimental.pallas import tpu as pltpu
from jax.experimental.pallas import tpu_sc as plsc

N = 10000
E = 320000
D = 128
R = 8
RN = R * N
YR = (R + 1) * N

NC = 2
NS = 16
L = 16
CHUNK = 80
ROUND = 25
NROUND = 10

NPT = 632
NPT_FULL = NPT // CHUNK
NPT_REM = NPT - NPT_FULL * CHUNK

_mesh1 = plsc.VectorSubcoreMesh(core_axis_name="c", subcore_axis_name="s",
                                num_cores=1)
_mesh2 = plsc.VectorSubcoreMesh(core_axis_name="c", subcore_axis_name="s")
_sc_params = pltpu.CompilerParams(needs_layout_passes=False)

_CROWS = RN // D
_ZR = 40


def _count_body(ti_hbm, di_hbm, cnt_out, cnt_tab, zbuf, tbs, dbs, kbs, colb,
                pay0, pay1, sem0, sem1):
    core = lax.axis_index("c")
    sid = lax.axis_index("s")
    z16 = jnp.zeros((L,), jnp.float32)
    i16 = lax.iota(jnp.int32, L)
    pays = (pay0, pay1)
    sems = (sem0, sem1)

    def zrow(i, _):
        for jx in range(D // L):
            zbuf[i, pl.ds(jx * L, L)] = z16
        return 0
    lax.fori_loop(0, _ZR, zrow, 0)
    zbase = jnp.minimum(sid * _ZR, _CROWS - _ZR)
    pltpu.sync_copy(zbuf, cnt_tab.at[pl.ds(zbase, _ZR)])

    plsc.subcore_barrier()

    def build(j, pay):
        for v in range(CHUNK // L):
            t = tbs[j, pl.ds(v * L, L)]
            d = dbs[j, pl.ds(v * L, L)]
            k = t * N + d
            kbs[j, pl.ds(v * L, L)] = lax.shift_right_logical(k, 7)
            colb[pl.ds(v * L, L)] = lax.bitwise_and(k, 127)

        def prow(e, _):
            c = plsc.load_gather(colb, [jnp.full((L,), e, jnp.int32)])
            for jx in range(D // L):
                pay[e, pl.ds(jx * L, L)] = jnp.where(
                    i16 + (jx * L) == c, jnp.float32(1.0), jnp.float32(0.0))
            return 0
        lax.fori_loop(0, CHUNK, prow, 0)

    def start_s(j, b):
        pltpu.async_copy(pays[b], cnt_tab.at[kbs.at[j]], sems[b], add=True)

    def wait_s(j, b):
        pltpu.make_async_copy(pays[b], cnt_tab.at[kbs.at[j]], sems[b]).wait()

    def round_body(r, _):
        rr = core * (NROUND // 2) + r
        pltpu.sync_copy(ti_hbm.at[sid, rr], tbs)
        pltpu.sync_copy(di_hbm.at[sid, rr], dbs)
        for b in range(2):
            build(b, pays[b])
            start_s(b, b)

        def pair(jj, _):
            for b in range(2):
                j = 2 * jj + 2 + b
                wait_s(j - 2, b)
                build(j, pays[b])
                start_s(j, b)
            return 0
        lax.fori_loop(0, (ROUND - 3) // 2, pair, 0)
        wait_s(ROUND - 3, 0)
        build(ROUND - 1, pays[0])
        start_s(ROUND - 1, 0)
        wait_s(ROUND - 2, 1)
        wait_s(ROUND - 1, 0)
        return 0
    lax.fori_loop(0, NROUND // 2, round_body, 0)

    plsc.subcore_barrier()

    @pl.when(sid == 0)
    def _():
        pltpu.sync_copy(cnt_tab, cnt_out.at[core])


_count_call = pl.kernel(
    _count_body,
    out_type=(),
    mesh=_mesh2,
    compiler_params=_sc_params,
    scratch_types=[
        pltpu.VMEM_SHARED((_CROWS, D), jnp.float32),
        pltpu.VMEM((_ZR, D), jnp.float32),
        pltpu.VMEM((ROUND, CHUNK), jnp.int32),
        pltpu.VMEM((ROUND, CHUNK), jnp.int32),
        pltpu.VMEM((ROUND, CHUNK), jnp.int32),
        pltpu.VMEM((CHUNK,), jnp.int32),
        pltpu.VMEM((CHUNK, D), jnp.float32),
        pltpu.VMEM((CHUNK, D), jnp.float32),
        pltpu.SemaphoreType.DMA,
        pltpu.SemaphoreType.DMA,
    ],
)


@jax.jit
def _count(ti4, di4):
    c = jax.new_ref(jnp.zeros((NC, _CROWS, D), jnp.float32))
    _count_call(ti4, di4, c)
    return c[...]


def _scale_body(cnt_hbm, ti_hbm, si_hbm, di_hbm, g_out, s_out,
                cntt, tbs, sbs, dbs, gbuf, sbuf):
    core = lax.axis_index("c")
    sid = lax.axis_index("s")
    one = jnp.full((L,), 1.0, jnp.float32)

    pltpu.sync_copy(cnt_hbm, cntt)

    def round_body(r, _):
        rr = core * (NROUND // 2) + r
        pltpu.sync_copy(ti_hbm.at[sid, rr], tbs)
        pltpu.sync_copy(si_hbm.at[sid, rr], sbs)
        pltpu.sync_copy(di_hbm.at[sid, rr], dbs)

        def chunk_body(j, _):
            for v in range(CHUNK // L):
                t = tbs[j, pl.ds(v * L, L)]
                s = sbs[j, pl.ds(v * L, L)]
                d = dbs[j, pl.ds(v * L, L)]
                gbuf[j, pl.ds(v * L, L)] = (t + 1) * N + s
                c = plsc.load_gather(cntt, [t * N + d])
                sbuf[j, pl.ds(v * L, L)] = one / jnp.maximum(c, one)
            return 0
        lax.fori_loop(0, ROUND, chunk_body, 0)
        pltpu.sync_copy(gbuf, g_out.at[sid, rr])
        pltpu.sync_copy(sbuf, s_out.at[sid, rr])
        return 0
    lax.fori_loop(0, NROUND // 2, round_body, 0)


_scale_call = pl.kernel(
    _scale_body,
    out_type=(),
    mesh=_mesh2,
    compiler_params=_sc_params,
    scratch_types=[
        pltpu.VMEM((RN,), jnp.float32),
        pltpu.VMEM((ROUND, CHUNK), jnp.int32),
        pltpu.VMEM((ROUND, CHUNK), jnp.int32),
        pltpu.VMEM((ROUND, CHUNK), jnp.int32),
        pltpu.VMEM((ROUND, CHUNK), jnp.int32),
        pltpu.VMEM((ROUND, CHUNK), jnp.float32),
    ],
)


@jax.jit
def _edge_scale(cntf, ti4, si4, di4):
    g = jax.new_ref(jnp.zeros((NS, NROUND, ROUND, CHUNK), jnp.int32))
    s = jax.new_ref(jnp.zeros((NS, NROUND, ROUND, CHUNK), jnp.float32))
    _scale_call(cntf, ti4, si4, di4, g, s)
    return g[...], s[...]


def _scatter_body(y_hbm, g_hbm, d_hbm, s_hbm, part_out,
                  acc, gbs, dbs, ssb, sv0, sv1, sv2, rows0, rows1, rows2,
                  sg0, sg1, sg2, ss0, ss1, ss2):
    sid = lax.axis_index("s")
    z16 = jnp.zeros((L,), jnp.float32)
    abase = jnp.minimum(sid * NPT, N - NPT)
    rows = (rows0, rows1, rows2)
    svs = (sv0, sv1, sv2)
    sgs = (sg0, sg1, sg2)
    sss = (ss0, ss1, ss2)

    def zrow(i, _):
        for j in range(D // L):
            rows0[i, pl.ds(j * L, L)] = z16
        return 0
    lax.fori_loop(0, CHUNK, zrow, 0)

    def zacc(j, _):
        pltpu.sync_copy(rows0, acc.at[pl.ds(abase + j * CHUNK, CHUNK)])
        return 0
    lax.fori_loop(0, NPT_FULL, zacc, 0)
    pltpu.sync_copy(rows0.at[pl.ds(0, NPT_REM)],
                    acc.at[pl.ds(abase + NPT_FULL * CHUNK, NPT_REM)])

    plsc.subcore_barrier()

    def prep(j, b):
        for v in range(CHUNK // L):
            svs[b][pl.ds(v * L, L)] = ssb[j, pl.ds(v * L, L)]

    def start_g(j, b):
        pltpu.async_copy(y_hbm.at[gbs.at[j]], rows[b], sgs[b])

    def wait_g(j, b):
        pltpu.make_async_copy(y_hbm.at[gbs.at[j]], rows[b], sgs[b]).wait()

    def start_s(j, b):
        pltpu.async_copy(rows[b], acc.at[dbs.at[j]], sss[b], add=True)

    def wait_s(j, b):
        pltpu.make_async_copy(rows[b], acc.at[dbs.at[j]], sss[b]).wait()

    def scale(b):
        def body(e, _):
            sc = plsc.load_gather(svs[b], [jnp.full((L,), e, jnp.int32)])
            for jx in range(D // L):
                rows[b][e, pl.ds(jx * L, L)] = rows[b][e, pl.ds(jx * L, L)] * sc
            return 0
        lax.fori_loop(0, CHUNK, body, 0)

    def step(j, with_wait, with_prefetch):
        b = j % 3 if isinstance(j, int) else None
        wait_g(j, b)
        scale(b)
        start_s(j, b)
        if with_prefetch:
            b2 = (j + 2) % 3
            if with_wait:
                wait_s(j - 1, b2)
            prep(j + 2, b2)
            start_g(j + 2, b2)

    def round_body(r, _):
        pltpu.sync_copy(g_hbm.at[sid, r], gbs)
        pltpu.sync_copy(d_hbm.at[sid, r], dbs)
        pltpu.sync_copy(s_hbm.at[sid, r], ssb)
        prep(0, 0)
        start_g(0, 0)
        prep(1, 1)
        start_g(1, 1)
        step(0, False, True)
        for jp in range(1, 5):
            step(jp, True, True)

        def triple(g, _):
            for idx in range(3):
                j = 3 * g + 5 + idx
                b = (5 + idx) % 3
                wait_g(j, b)
                scale(b)
                start_s(j, b)
                b2 = (j0b := (5 + idx + 2) % 3)
                wait_s(j - 1, b2)
                prep(j + 2, b2)
                start_g(j + 2, b2)
            return 0
        lax.fori_loop(0, (ROUND - 7) // 3, triple, 0)
        step(ROUND - 2, False, False)
        step(ROUND - 1, False, False)
        wait_s(ROUND - 3, (ROUND - 3) % 3)
        wait_s(ROUND - 2, (ROUND - 2) % 3)
        wait_s(ROUND - 1, (ROUND - 1) % 3)
        return 0
    lax.fori_loop(0, NROUND, round_body, 0)

    plsc.subcore_barrier()

    pltpu.sync_copy(acc.at[pl.ds(abase, NPT)], part_out.at[pl.ds(abase, NPT)])


_scatter_call = pl.kernel(
    _scatter_body,
    out_type=(),
    mesh=_mesh1,
    compiler_params=_sc_params,
    scratch_types=[
        pltpu.VMEM_SHARED((N, D), jnp.float32),
        pltpu.VMEM((ROUND, CHUNK), jnp.int32),
        pltpu.VMEM((ROUND, CHUNK), jnp.int32),
        pltpu.VMEM((ROUND, CHUNK), jnp.float32),
        pltpu.VMEM((CHUNK,), jnp.float32),
        pltpu.VMEM((CHUNK,), jnp.float32),
        pltpu.VMEM((CHUNK,), jnp.float32),
        pltpu.VMEM((CHUNK, D), jnp.float32),
        pltpu.VMEM((CHUNK, D), jnp.float32),
        pltpu.VMEM((CHUNK, D), jnp.float32),
        pltpu.SemaphoreType.DMA,
        pltpu.SemaphoreType.DMA,
        pltpu.SemaphoreType.DMA,
        pltpu.SemaphoreType.DMA,
        pltpu.SemaphoreType.DMA,
        pltpu.SemaphoreType.DMA,
    ],
)


@jax.jit
def _scatter(ycat, g4, d4, s4):
    o = jax.new_ref(jnp.zeros((N, D), jnp.float32))
    _scatter_call(ycat, g4, d4, s4, o)
    return o[...]


def _sum_kernel(c_ref, o_ref):
    o_ref[...] = c_ref[0] + c_ref[1]


_sum_counts = jax.jit(pl.pallas_call(
    _sum_kernel,
    out_shape=jax.ShapeDtypeStruct((_CROWS, D), jnp.float32),
))


_BT = 2000


def _transform_kernel(x_ref, w_ref, b_ref, y_ref):
    i = pl.program_id(1)
    y = jnp.dot(x_ref[...], w_ref[0],
                preferred_element_type=jnp.float32,
                precision=lax.Precision.HIGHEST)
    scale = jnp.where(i == 0, jnp.float32(1.0), jnp.float32(0.0))
    y_ref[0] = y + b_ref[...] * scale


@jax.jit
def _transform(x, wcat, b2d):
    return pl.pallas_call(
        _transform_kernel,
        grid=(N // _BT, R + 1),
        in_specs=[
            pl.BlockSpec((_BT, D), lambda nb, i: (nb, 0)),
            pl.BlockSpec((1, D, D), lambda nb, i: (i, 0, 0)),
            pl.BlockSpec((1, D), lambda nb, i: (0, 0)),
        ],
        out_specs=pl.BlockSpec((1, _BT, D), lambda nb, i: (i, nb, 0)),
        out_shape=jax.ShapeDtypeStruct((R + 1, N, D), jnp.float32),
    )(x, wcat, b2d)


def _combine_kernel(y_ref, p_ref, o_ref, *, relu):
    o = y_ref[0] + p_ref[...]
    if relu:
        o = jnp.maximum(o, 0.0)
    o_ref[...] = o


def _make_combine(relu):
    f = pl.pallas_call(
        functools.partial(_combine_kernel, relu=relu),
        grid=(N // _BT,),
        in_specs=[
            pl.BlockSpec((1, _BT, D), lambda nb: (0, nb, 0)),
            pl.BlockSpec((_BT, D), lambda nb: (nb, 0)),
        ],
        out_specs=pl.BlockSpec((_BT, D), lambda nb: (nb, 0)),
        out_shape=jax.ShapeDtypeStruct((N, D), jnp.float32),
    )
    return jax.jit(f)


_combine_relu = _make_combine(True)
_combine_plain = _make_combine(False)


def kernel(x, edge_index, edge_type, W_rel1, W_root1, b1, W_rel2, W_root2, b2):
    si4 = edge_index[0].reshape(NS, NROUND, ROUND, CHUNK)
    di4 = edge_index[1].reshape(NS, NROUND, ROUND, CHUNK)
    ti4 = edge_type.reshape(NS, NROUND, ROUND, CHUNK)

    cntf = _sum_counts(_count(ti4, di4)).reshape(RN)
    g4, s4 = _edge_scale(cntf, ti4, si4, di4)

    wcat1 = jnp.concatenate([W_root1[None], W_rel1], axis=0)
    y1 = _transform(x, wcat1, b1.reshape(1, D))
    p1 = _scatter(y1.reshape(YR, D), g4, di4, s4)
    h = _combine_relu(y1, p1)

    wcat2 = jnp.concatenate([W_root2[None], W_rel2], axis=0)
    y2 = _transform(h, wcat2, b2.reshape(1, D))
    p2 = _scatter(y2.reshape(YR, D), g4, di4, s4)
    return _combine_plain(y2, p2)

# --- scband reference (transcript-rebuilt; emitter-appended) ---
"""Pipeline reference for scband-simple-rgcn-31344671326736 (READ-ONLY COPY).

The authoritative reference and input builder live on the scoring server;
editing this copy changes nothing except your own understanding.
"""

import jax, jax.numpy as jnp
import numpy as np

N = 10000
E = 320000
D = 128
R = 8


def setup_inputs(seed: int = 0) -> dict:
    key = jax.random.key(seed)
    ks = jax.random.split(key, 10)
    x = jax.random.normal(ks[0], (N, D), dtype=jnp.float32)
    edge_index = jax.random.randint(ks[1], (2, E), 0, N, dtype=jnp.int32)
    edge_type = jax.random.randint(ks[2], (E,), 0, R, dtype=jnp.int32)
    scale = 1.0 / np.sqrt(D)
    W_rel1 = jax.random.normal(ks[3], (R, D, D), dtype=jnp.float32) * scale
    W_root1 = jax.random.normal(ks[4], (D, D), dtype=jnp.float32) * scale
    b1 = jnp.zeros((D,), dtype=jnp.float32)
    W_rel2 = jax.random.normal(ks[5], (R, D, D), dtype=jnp.float32) * scale
    W_root2 = jax.random.normal(ks[6], (D, D), dtype=jnp.float32) * scale
    b2 = jnp.zeros((D,), dtype=jnp.float32)
    return {
        "x": x,
        "edge_index": edge_index,
        "edge_type": edge_type,
        "W_rel1": W_rel1,
        "W_root1": W_root1,
        "b1": b1,
        "W_rel2": W_rel2,
        "W_root2": W_root2,
        "b2": b2,
    }


def _rgcn_conv(x, edge_index, edge_type, W_rel, W_root, bias):
    # PyG RGCNConv semantics: out = x @ W_root + bias + sum_r mean_{j in N_r(i)} (x_j @ W_r)
    src = edge_index[0]
    dst = edge_index[1]
    n = x.shape[0]
    out = x @ W_root + bias
    x_src = jnp.take(x, src, axis=0)  # gather [E, D]
    for r in range(R):
        mask = (edge_type == r).astype(x.dtype)  # [E]
        msg = (x_src @ W_rel[r]) * mask[:, None]  # [E, D]
        agg = jax.ops.segment_sum(msg, dst, num_segments=n)  # scatter-add [N, D]
        cnt = jax.ops.segment_sum(mask, dst, num_segments=n)  # [N]
        out = out + agg / jnp.clip(cnt, 1.0, None)[:, None]
    return out


def reference(x, edge_index, edge_type, W_rel1, W_root1, b1, W_rel2, W_root2, b2):
    h = _rgcn_conv(x, edge_index, edge_type, W_rel1, W_root1, b1)
    h = jax.nn.relu(h)
    out = _rgcn_conv(h, edge_index, edge_type, W_rel2, W_root2, b2)
    return out

if __name__ == "__main__":
    import jax
    _d = setup_inputs()
    print(jax.jit(kernel)(*tuple(_d.values())))

</pallas_src>

<mosaic_0001>
#map = affine_map<(d0, d1) -> (0, 0, 0, 0)>
#map1 = affine_map<(d0, d1) -> (0, 0, 0)>
module attributes {stable_mosaic.version = 14 : i64} {
  func.func @new_body(%arg0: i32, %arg1: i32, %arg2: memref<16x10x25x80xi32, #tpu.memory_space<hbm>>, %arg3: memref<16x10x25x80xi32, #tpu.memory_space<hbm>>, %arg4: memref<2x625x128xf32, #tpu.memory_space<hbm>>, %arg5: memref<2x625x128xf32, #tpu.memory_space<hbm>>, %arg6: memref<625x128xf32, #tpu.memory_space<vmem_shared>>, %arg7: memref<40x128xf32, #tpu.memory_space<vmem>>, %arg8: memref<25x80xi32, #tpu.memory_space<vmem>>, %arg9: memref<25x80xi32, #tpu.memory_space<vmem>>, %arg10: memref<25x80xi32, #tpu.memory_space<vmem>>, %arg11: memref<80xi32, #tpu.memory_space<vmem>>, %arg12: memref<80x128xf32, #tpu.memory_space<vmem>>, %arg13: memref<80x128xf32, #tpu.memory_space<vmem>>, %arg14: memref<!tpu.dma_semaphore, #tpu.memory_space<semaphore_mem>>, %arg15: memref<!tpu.dma_semaphore, #tpu.memory_space<semaphore_mem>>) attributes {dimension_semantics = [#tpu.dimension_semantics<core_parallel>, #tpu.dimension_semantics<subcore_parallel>], iteration_bounds = array<i64: 2, 16>, scalar_prefetch = 0 : i64, scratch_operands = 10 : i64, tpu.core_type = #tpu.core_type<sc_vector_subcore>, window_params = [{transform_indices = #map}, {transform_indices = #map}, {transform_indices = #map1}, {transform_indices = #map1}]} {
    %broadcast_in_dim3A = arith.constant 0.000000e+00 : f32
    %broadcast_in_dim3A_0 = vector.broadcast %broadcast_in_dim3A : f32 to vector<16xf32>
    %iota3A = tpu.iota {dimensions = array<i32: 0>} : vector<16xi32>
    %scan3A = arith.constant 0 : i32
    %scan3A_1 = arith.constant 0 : i32
    %scan3A_2 = arith.constant 40 : i32
    %scan3A_3 = arith.addi %scan3A_1, %scan3A_2 : i32
    %scan3A_4 = arith.constant 1 : i32
    %scan3A_5 = scf.for %scan3A_19 = %scan3A_1 to %scan3A_3 step %scan3A_4 iter_args(%scan3A_20 = %scan3A) -> (i32)  : i32 {
      %swap3A = arith.index_cast %scan3A_19 : i32 to index
      %swap3A_21 = arith.constant 0 : index
      %swap3A_22 = tpu.vector_load %arg7[%swap3A, %swap3A_21] {strides = array<i32>} : memref<40x128xf32, #tpu.memory_space<vmem>>, vector<16xf32>,
      tpu.vector_store %arg7[%swap3A, %swap3A_21], %broadcast_in_dim3A_0 {strides = array<i32>} : memref<40x128xf32, #tpu.memory_space<vmem>>, vector<16xf32>,
      %swap3A_23 = arith.index_cast %scan3A_19 : i32 to index
      %swap3A_24 = arith.constant 16 : index
      %swap3A_25 = tpu.vector_load %arg7[%swap3A_23, %swap3A_24] {strides = array<i32>} : memref<40x128xf32, #tpu.memory_space<vmem>>, vector<16xf32>,
      tpu.vector_store %arg7[%swap3A_23, %swap3A_24], %broadcast_in_dim3A_0 {strides = array<i32>} : memref<40x128xf32, #tpu.memory_space<vmem>>, vector<16xf32>,
      %swap3A_26 = arith.index_cast %scan3A_19 : i32 to index
      %swap3A_27 = arith.constant 32 : index
      %swap3A_28 = tpu.vector_load %arg7[%swap3A_26, %swap3A_27] {strides = array<i32>} : memref<40x128xf32, #tpu.memory_space<vmem>>, vector<16xf32>,
      tpu.vector_store %arg7[%swap3A_26, %swap3A_27], %broadcast_in_dim3A_0 {strides = array<i32>} : memref<40x128xf32, #tpu.memory_space<vmem>>, vector<16xf32>,
      %swap3A_29 = arith.index_cast %scan3A_19 : i32 to index
      %swap3A_30 = arith.constant 48 : index
      %swap3A_31 = tpu.vector_load %arg7[%swap3A_29, %swap3A_30] {strides = array<i32>} : memref<40x128xf32, #tpu.memory_space<vmem>>, vector<16xf32>,
      tpu.vector_store %arg7[%swap3A_29, %swap3A_30], %broadcast_in_dim3A_0 {strides = array<i32>} : memref<40x128xf32, #tpu.memory_space<vmem>>, vector<16xf32>,
      %swap3A_32 = arith.index_cast %scan3A_19 : i32 to index
      %swap3A_33 = arith.constant 64 : index
      %swap3A_34 = tpu.vector_load %arg7[%swap3A_32, %swap3A_33] {strides = array<i32>} : memref<40x128xf32, #tpu.memory_space<vmem>>, vector<16xf32>,
      tpu.vector_store %arg7[%swap3A_32, %swap3A_33], %broadcast_in_dim3A_0 {strides = array<i32>} : memref<40x128xf32, #tpu.memory_space<vmem>>, vector<16xf32>,
      %swap3A_35 = arith.index_cast %scan3A_19 : i32 to index
      %swap3A_36 = arith.constant 80 : index
      %swap3A_37 = tpu.vector_load %arg7[%swap3A_35, %swap3A_36] {strides = array<i32>} : memref<40x128xf32, #tpu.memory_space<vmem>>, vector<16xf32>,
      tpu.vector_store %arg7[%swap3A_35, %swap3A_36], %broadcast_in_dim3A_0 {strides = array<i32>} : memref<40x128xf32, #tpu.memory_space<vmem>>, vector<16xf32>,
      %swap3A_38 = arith.index_cast %scan3A_19 : i32 to index
      %swap3A_39 = arith.constant 96 : index
      %swap3A_40 = tpu.vector_load %arg7[%swap3A_38, %swap3A_39] {strides = array<i32>} : memref<40x128xf32, #tpu.memory_space<vmem>>, vector<16xf32>,
      tpu.vector_store %arg7[%swap3A_38, %swap3A_39], %broadcast_in_dim3A_0 {strides = array<i32>} : memref<40x128xf32, #tpu.memory_space<vmem>>, vector<16xf32>,
      %swap3A_41 = arith.index_cast %scan3A_19 : i32 to index
      %swap3A_42 = arith.constant 112 : index
      %swap3A_43 = tpu.vector_load %arg7[%swap3A_41, %swap3A_42] {strides = array<i32>} : memref<40x128xf32, #tpu.memory_space<vmem>>, vector<16xf32>,
      tpu.vector_store %arg7[%swap3A_41, %swap3A_42], %broadcast_in_dim3A_0 {strides = array<i32>} : memref<40x128xf32, #tpu.memory_space<vmem>>, vector<16xf32>,
      %scan3A_44 = arith.constant 0 : i32
      scf.yield %scan3A_44 : i32
    }
    %scan3A_6 = arith.constant 40 : i32
    %mul3A = arith.constant 40 : i32
    %mul3A_7 = arith.muli %arg1, %mul3A : i32
    %min3A = arith.constant 585 : i32
    %min3A_8 = arith.minsi %mul3A_7, %min3A : i32
    "tpu.region"() ({
      %run_scoped3A = tpu.sem_alloc : memref<!tpu.dma_semaphore, #tpu.memory_space<semaphore_mem>>
      %dma_start3A = arith.constant 0 : i32
      %dma_start3A_19 = tpu.memref_slice %arg6[%min3A_8, %dma_start3A] : memref<625x128xf32, #tpu.memory_space<vmem_shared>> -> memref<40x128xf32, #tpu.memory_space<vmem_shared>>
      %dma_start3A_20 = arith.constant 0 : i32
      %dma_start3A_21 = tpu.memref_slice %arg6[%min3A_8, %dma_start3A_20] : memref<625x128xf32, #tpu.memory_space<vmem_shared>> -> memref<40x128xf32, #tpu.memory_space<vmem_shared>>
      tpu.enqueue_dma source(%arg7 : memref<40x128xf32, #tpu.memory_space<vmem>>) target(%dma_start3A_21 : memref<40x128xf32, #tpu.memory_space<vmem_shared>>) target_semaphore(%run_scoped3A : memref<!tpu.dma_semaphore, #tpu.memory_space<semaphore_mem>>)
      %dma_wait3A = arith.constant 0 : i32
      %dma_wait3A_22 = tpu.memref_slice %arg6[%min3A_8, %dma_wait3A] : memref<625x128xf32, #tpu.memory_space<vmem_shared>> -> memref<40x128xf32, #tpu.memory_space<vmem_shared>>
      %dma_wait3A_23 = arith.constant 0 : i32
      %dma_wait3A_24 = tpu.memref_slice %arg6[%min3A_8, %dma_wait3A_23] : memref<625x128xf32, #tpu.memory_space<vmem_shared>> -> memref<40x128xf32, #tpu.memory_space<vmem_shared>>
      tpu.wait_dma2 semaphore(%run_scoped3A : memref<!tpu.dma_semaphore, #tpu.memory_space<semaphore_mem>>) src(%arg7 : memref<40x128xf32, #tpu.memory_space<vmem>>) dst(%dma_wait3A_24 : memref<40x128xf32, #tpu.memory_space<vmem_shared>>)
      tpu.yield
    }) : () -> ()
    %barrier3A = arith.constant 0 : index
    tpu.barrier barrier_id(%barrier3A)
    %scan3A_9 = arith.constant 0 : i32
    %scan3A_10 = arith.constant 0 : i32
    %scan3A_11 = arith.constant 5 : i32
    %scan3A_12 = arith.addi %scan3A_10, %scan3A_11 : i32
    %scan3A_13 = arith.constant 1 : i32
    %scan3A_14 = scf.for %scan3A_19 = %scan3A_10 to %scan3A_12 step %scan3A_13 iter_args(%scan3A_20 = %scan3A_9) -> (i32)  : i32 {
      %mul3A_21 = arith.constant 5 : i32
      %mul3A_22 = arith.muli %arg0, %mul3A_21 : i32
      %add3A = arith.addi %mul3A_22, %scan3A_19 : i32
      "tpu.region"() ({
        %run_scoped3A = tpu.sem_alloc : memref<!tpu.dma_semaphore, #tpu.memory_space<semaphore_mem>>
        %dma_start3A_448 = arith.constant 0 : i32
        %dma_start3A_449 = arith.constant 0 : i32
        %dma_start3A_450 = tpu.memref_slice %arg2[%arg1, %add3A, %dma_start3A_448, %dma_start3A_449] : memref<16x10x25x80xi32, #tpu.memory_space<hbm>> -> memref<1x1x25x80xi32, #tpu.memory_space<hbm>>
        %dma_start3A_451 = tpu.memref_squeeze %dma_start3A_450 : memref<1x1x25x80xi32, #tpu.memory_space<hbm>> -> memref<25x80xi32, #tpu.memory_space<hbm>>
        %dma_start3A_452 = arith.constant 0 : i32
        %dma_start3A_453 = arith.constant 0 : i32
        %dma_start3A_454 = tpu.memref_slice %arg2[%arg1, %add3A, %dma_start3A_452, %dma_start3A_453] : memref<16x10x25x80xi32, #tpu.memory_space<hbm>> -> memref<1x1x25x80xi32, #tpu.memory_space<hbm>>
        %dma_start3A_455 = tpu.memref_squeeze %dma_start3A_454 : memref<1x1x25x80xi32, #tpu.memory_space<hbm>> -> memref<25x80xi32, #tpu.memory_space<hbm>>
        tpu.enqueue_dma source(%dma_start3A_455 : memref<25x80xi32, #tpu.memory_space<hbm>>) target(%arg8 : memref<25x80xi32, #tpu.memory_space<vmem>>) target_semaphore(%run_scoped3A : memref<!tpu.dma_semaphore, #tpu.memory_space<semaphore_mem>>)
        %dma_wait3A_456 = arith.constant 0 : i32
        %dma_wait3A_457 = arith.constant 0 : i32
        %dma_wait3A_458 = tpu.memref_slice %arg2[%arg1, %add3A, %dma_wait3A_456, %dma_wait3A_457] : memref<16x10x25x80xi32, #tpu.memory_space<hbm>> -> memref<1x1x25x80xi32, #tpu.memory_space<hbm>>
        %dma_wait3A_459 = tpu.memref_squeeze %dma_wait3A_458 : memref<1x1x25x80xi32, #tpu.memory_space<hbm>> -> memref<25x80xi32, #tpu.memory_space<hbm>>
        %dma_wait3A_460 = arith.constant 0 : i32
        %dma_wait3A_461 = arith.constant 0 : i32
        %dma_wait3A_462 = tpu.memref_slice %arg2[%arg1, %add3A, %dma_wait3A_460, %dma_wait3A_461] : memref<16x10x25x80xi32, #tpu.memory_space<hbm>> -> memref<1x1x25x80xi32, #tpu.memory_space<hbm>>
        %dma_wait3A_463 = tpu.memref_squeeze %dma_wait3A_462 : memref<1x1x25x80xi32, #tpu.memory_space<hbm>> -> memref<25x80xi32, #tpu.memory_space<hbm>>
        tpu.wait_dma2 semaphore(%run_scoped3A : memref<!tpu.dma_semaphore, #tpu.memory_space<semaphore_mem>>) src(%dma_wait3A_463 : memref<25x80xi32, #tpu.memory_space<hbm>>) dst(%arg8 : memref<25x80xi32, #tpu.memory_space<vmem>>)
        tpu.yield
      }) : () -> ()
      "tpu.region"() ({
        %run_scoped3A = tpu.sem_alloc : memref<!tpu.dma_semaphore, #tpu.memory_space<semaphore_mem>>
        %dma_start3A_448 = arith.constant 0 : i32
        %dma_start3A_449 = arith.constant 0 : i32
        %dma_start3A_450 = tpu.memref_slice %arg3[%arg1, %add3A, %dma_start3A_448, %dma_start3A_449] : memref<16x10x25x80xi32, #tpu.memory_space<hbm>> -> memref<1x1x25x80xi32, #tpu.memory_space<hbm>>
        %dma_start3A_451 = tpu.memref_squeeze %dma_start3A_450 : memref<1x1x25x80xi32, #tpu.memory_space<hbm>> -> memref<25x80xi32, #tpu.memory_space<hbm>>
        %dma_start3A_452 = arith.constant 0 : i32
        %dma_start3A_453 = arith.constant 0 : i32
        %dma_start3A_454 = tpu.memref_slice %arg3[%arg1, %add3A, %dma_start3A_452, %dma_start3A_453] : memref<16x10x25x80xi32, #tpu.memory_space<hbm>> -> memref<1x1x25x80xi32, #tpu.memory_space<hbm>>
        %dma_start3A_455 = tpu.memref_squeeze %dma_start3A_454 : memref<1x1x25x80xi32, #tpu.memory_space<hbm>> -> memref<25x80xi32, #tpu.memory_space<hbm>>
        tpu.enqueue_dma source(%dma_start3A_455 : memref<25x80xi32, #tpu.memory_space<hbm>>) target(%arg9 : memref<25x80xi32, #tpu.memory_space<vmem>>) target_semaphore(%run_scoped3A : memref<!tpu.dma_semaphore, #tpu.memory_space<semaphore_mem>>)
        %dma_wait3A_456 = arith.constant 0 : i32
        %dma_wait3A_457 = arith.constant 0 : i32
        %dma_wait3A_458 = tpu.memref_slice %arg3[%arg1, %add3A, %dma_wait3A_456, %dma_wait3A_457] : memref<16x10x25x80xi32, #tpu.memory_space<hbm>> -> memref<1x1x25x80xi32, #tpu.memory_space<hbm>>
        %dma_wait3A_459 = tpu.memref_squeeze %dma_wait3A_458 : memref<1x1x25x80xi32, #tpu.memory_space<hbm>> -> memref<25x80xi32, #tpu.memory_space<hbm>>
        %dma_wait3A_460 = arith.constant 0 : i32
        %dma_wait3A_461 = arith.constant 0 : i32
        %dma_wait3A_462 = tpu.memref_slice %arg3[%arg1, %add3A, %dma_wait3A_460, %dma_wait3A_461] : memref<16x10x25x80xi32, #tpu.memory_space<hbm>> -> memref<1x1x25x80xi32, #tpu.memory_space<hbm>>
        %dma_wait3A_463 = tpu.memref_squeeze %dma_wait3A_462 : memref<1x1x25x80xi32, #tpu.memory_space<hbm>> -> memref<25x80xi32, #tpu.memory_space<hbm>>
        tpu.wait_dma2 semaphore(%run_scoped3A : memref<!tpu.dma_semaphore, #tpu.memory_space<semaphore_mem>>) src(%dma_wait3A_463 : memref<25x80xi32, #tpu.memory_space<hbm>>) dst(%arg9 : memref<25x80xi32, #tpu.memory_space<vmem>>)
        tpu.yield
      }) : () -> ()
      %get3A = arith.constant 0 : i32
      %get3A_23 = arith.index_cast %get3A : i32 to index
      %get3A_24 = arith.constant 0 : index
      %get3A_25 = tpu.vector_load %arg8[%get3A_23, %get3A_24] {strides = array<i32>} : memref<25x80xi32, #tpu.memory_space<vmem>>, vector<16xi32>,
      %get3A_26 = arith.constant 0 : i32
      %get3A_27 = arith.index_cast %get3A_26 : i32 to index
      %get3A_28 = arith.constant 0 : index
      %get3A_29 = tpu.vector_load %arg9[%get3A_27, %get3A_28] {strides = array<i32>} : memref<25x80xi32, #tpu.memory_space<vmem>>, vector<16xi32>,
      %mul3A_30 = arith.constant 10000 : i32
      %mul3A_31 = vector.broadcast %mul3A_30 : i32 to vector<16xi32>
      %mul3A_32 = arith.muli %get3A_25, %mul3A_31 : vector<16xi32>
      %add3A_33 = arith.addi %mul3A_32, %get3A_29 : vector<16xi32>
      %shift_right_logical3A = arith.constant 7 : i32
      %shift_right_logical3A_34 = vector.broadcast %shift_right_logical3A : i32 to vector<16xi32>
      %shift_right_logical3A_35 = arith.shrui %add3A_33, %shift_right_logical3A_34 : vector<16xi32>
      %swap3A = arith.constant 0 : i32
      %swap3A_36 = arith.index_cast %swap3A : i32 to index
      %swap3A_37 = arith.constant 0 : index
      %swap3A_38 = tpu.vector_load %arg10[%swap3A_36, %swap3A_37] {strides = array<i32>} : memref<25x80xi32, #tpu.memory_space<vmem>>, vector<16xi32>,
      tpu.vector_store %arg10[%swap3A_36, %swap3A_37], %shift_right_logical3A_35 {strides = array<i32>} : memref<25x80xi32, #tpu.memory_space<vmem>>, vector<16xi32>,
      %and3A = arith.constant 127 : i32
      %and3A_39 = vector.broadcast %and3A : i32 to vector<16xi32>
      %and3A_40 = arith.andi %add3A_33, %and3A_39 : vector<16xi32>
      %swap3A_41 = arith.constant 0 : index
      %swap3A_42 = tpu.vector_load %arg11[%swap3A_41] {strides = array<i32>} : memref<80xi32, #tpu.memory_space<vmem>>, vector<16xi32>,
      tpu.vector_store %arg11[%swap3A_41], %and3A_40 {strides = array<i32>} : memref<80xi32, #tpu.memory_space<vmem>>, vector<16xi32>,
      %get3A_43 = arith.constant 0 : i32
      %get3A_44 = arith.index_cast %get3A_43 : i32 to index
      %get3A_45 = arith.constant 16 : index
      %get3A_46 = tpu.vector_load %arg8[%get3A_44, %get3A_45] {strides = array<i32>} : memref<25x80xi32, #tpu.memory_space<vmem>>, vector<16xi32>,
      %get3A_47 = arith.constant 0 : i32
      %get3A_48 = arith.index_cast %get3A_47 : i32 to index
      %get3A_49 = arith.constant 16 : index
      %get3A_50 = tpu.vector_load %arg9[%get3A_48, %get3A_49] {strides = array<i32>} : memref<25x80xi32, #tpu.memory_space<vmem>>, vector<16xi32>,
      %mul3A_51 = arith.constant 10000 : i32
      %mul3A_52 = vector.broadcast %mul3A_51 : i32 to vector<16xi32>
      %mul3A_53 = arith.muli %get3A_46, %mul3A_52 : vector<16xi32>
      %add3A_54 = arith.addi %mul3A_53, %get3A_50 : vector<16xi32>
      %shift_right_logical3A_55 = arith.constant 7 : i32
      %shift_right_logical3A_56 = vector.broadcast %shift_right_logical3A_55 : i32 to vector<16xi32>
      %shift_right_logical3A_57 = arith.shrui %add3A_54, %shift_right_logical3A_56 : vector<16xi32>
      %swap3A_58 = arith.constant 0 : i32
      %swap3A_59 = arith.index_cast %swap3A_58 : i32 to index
      %swap3A_60 = arith.constant 16 : index
      %swap3A_61 = tpu.vector_load %arg10[%swap3A_59, %swap3A_60] {strides = array<i32>} : memref<25x80xi32, #tpu.memory_space<vmem>>, vector<16xi32>,
      tpu.vector_store %arg10[%swap3A_59, %swap3A_60], %shift_right_logical3A_57 {strides = array<i32>} : memref<25x80xi32, #tpu.memory_space<vmem>>, vector<16xi32>,
      %and3A_62 = arith.constant 127 : i32
      %and3A_63 = vector.broadcast %and3A_62 : i32 to vector<16xi32>
      %and3A_64 = arith.andi %add3A_54, %and3A_63 : vector<16xi32>
      %swap3A_65 = arith.constant 16 : index
      %swap3A_66 = tpu.vector_load %arg11[%swap3A_65] {strides = array<i32>} : memref<80xi32, #tpu.memory_space<vmem>>, vector<16xi32>,
      tpu.vector_store %arg11[%swap3A_65], %and3A_64 {strides = array<i32>} : memref<80xi32, #tpu.memory_space<vmem>>, vector<16xi32>,
      %get3A_67 = arith.constant 0 : i32
      %get3A_68 = arith.index_cast %get3A_67 : i32 to index
      %get3A_69 = arith.constant 32 : index
      %get3A_70 = tpu.vector_load %arg8[%get3A_68, %get3A_69] {strides = array<i32>} : memref<25x80xi32, #tpu.memory_space<vmem>>, vector<16xi32>,
      %get3A_71 = arith.constant 0 : i32
      %get3A_72 = arith.index_cast %get3A_71 : i32 to index
      %get3A_73 = arith.constant 32 : index
      %get3A_74 = tpu.vector_load %arg9[%get3A_72, %get3A_73] {strides = array<i32>} : memref<25x80xi32, #tpu.memory_space<vmem>>, vector<16xi32>,
      %mul3A_75 = arith.constant 10000 : i32
      %mul3A_76 = vector.broadcast %mul3A_75 : i32 to vector<16xi32>
      %mul3A_77 = arith.muli %get3A_70, %mul3A_76 : vector<16xi32>
      %add3A_78 = arith.addi %mul3A_77, %get3A_74 : vector<16xi32>
      %shift_right_logical3A_79 = arith.constant 7 : i32
      %shift_right_logical3A_80 = vector.broadcast %shift_right_logical3A_79 : i32 to vector<16xi32>
      %shift_right_logical3A_81 = arith.shrui %add3A_78, %shift_right_logical3A_80 : vector<16xi32>
      %swap3A_82 = arith.constant 0 : i32
      %swap3A_83 = arith.index_cast %swap3A_82 : i32 to index
      %swap3A_84 = arith.constant 32 : index
      %swap3A_85 = tpu.vector_load %arg10[%swap3A_83, %swap3A_84] {strides = array<i32>} : memref<25x80xi32, #tpu.memory_space<vmem>>, vector<16xi32>,
      tpu.vector_store %arg10[%swap3A_83, %swap3A_84], %shift_right_logical3A_81 {strides = array<i32>} : memref<25x80xi32, #tpu.memory_space<vmem>>, vector<16xi32>,
      %and3A_86 = arith.constant 127 : i32
      %and3A_87 = vector.broadcast %and3A_86 : i32 to vector<16xi32>
      %and3A_88 = arith.andi %add3A_78, %and3A_87 : vector<16xi32>
      %swap3A_89 = arith.constant 32 : index
      %swap3A_90 = tpu.vector_load %arg11[%swap3A_89] {strides = array<i32>} : memref<80xi32, #tpu.memory_space<vmem>>, vector<16xi32>,
      tpu.vector_store %arg11[%swap3A_89], %and3A_88 {strides = array<i32>} : memref<80xi32, #tpu.memory_space<vmem>>, vector<16xi32>,
      %get3A_91 = arith.constant 0 : i32
      %get3A_92 = arith.index_cast %get3A_91 : i32 to index
      %get3A_93 = arith.constant 48 : index
      %get3A_94 = tpu.vector_load %arg8[%get3A_92, %get3A_93] {strides = array<i32>} : memref<25x80xi32, #tpu.memory_space<vmem>>, vector<16xi32>,
      %get3A_95 = arith.constant 0 : i32
      %get3A_96 = arith.index_cast %get3A_95 : i32 to index
      %get3A_97 = arith.constant 48 : index
      %get3A_98 = tpu.vector_load %arg9[%get3A_96, %get3A_97] {strides = array<i32>} : memref<25x80xi32, #tpu.memory_space<vmem>>, vector<16xi32>,
      %mul3A_99 = arith.constant 10000 : i32
      %mul3A_100 = vector.broadcast %mul3A_99 : i32 to vector<16xi32>
      %mul3A_101 = arith.muli %get3A_94, %mul3A_100 : vector<16xi32>
      %add3A_102 = arith.addi %mul3A_101, %get3A_98 : vector<16xi32>
      %shift_right_logical3A_103 = arith.constant 7 : i32
      %shift_right_logical3A_104 = vector.broadcast %shift_right_logical3A_103 : i32 to vector<16xi32>
      %shift_right_logical3A_105 = arith.shrui %add3A_102, %shift_right_logical3A_104 : vector<16xi32>
      %swap3A_106 = arith.constant 0 : i32
      %swap3A_107 = arith.index_cast %swap3A_106 : i32 to index
      %swap3A_108 = arith.constant 48 : index
      %swap3A_109 = tpu.vector_load %arg10[%swap3A_107, %swap3A_108] {strides = array<i32>} : memref<25x80xi32, #tpu.memory_space<vmem>>, vector<16xi32>,
      tpu.vector_store %arg10[%swap3A_107, %swap3A_108], %shift_right_logical3A_105 {strides = array<i32>} : memref<25x80xi32, #tpu.memory_space<vmem>>, vector<16xi32>,
      %and3A_110 = arith.constant 127 : i32
      %and3A_111 = vector.broadcast %and3A_110 : i32 to vector<16xi32>
      %and3A_112 = arith.andi %add3A_102, %and3A_111 : vector<16xi32>
      %swap3A_113 = arith.constant 48 : index
      %swap3A_114 = tpu.vector_load %arg11[%swap3A_113] {strides = array<i32>} : memref<80xi32, #tpu.memory_space<vmem>>, vector<16xi32>,
      tpu.vector_store %arg11[%swap3A_113], %and3A_112 {strides = array<i32>} : memref<80xi32, #tpu.memory_space<vmem>>, vector<16xi32>,
      %get3A_115 = arith.constant 0 : i32
      %get3A_116 = arith.index_cast %get3A_115 : i32 to index
      %get3A_117 = arith.constant 64 : index
      %get3A_118 = tpu.vector_load %arg8[%get3A_116, %get3A_117] {strides = array<i32>} : memref<25x80xi32, #tpu.memory_space<vmem>>, vector<16xi32>,
      %get3A_119 = arith.constant 0 : i32
      %get3A_120 = arith.index_cast %get3A_119 : i32 to index
      %get3A_121 = arith.constant 64 : index
      %get3A_122 = tpu.vector_load %arg9[%get3A_120, %get3A_121] {strides = array<i32>} : memref<25x80xi32, #tpu.memory_space<vmem>>, vector<16xi32>,
      %mul3A_123 = arith.constant 10000 : i32
      %mul3A_124 = vector.broadcast %mul3A_123 : i32 to vector<16xi32>
      %mul3A_125 = arith.muli %get3A_118, %mul3A_124 : vector<16xi32>
      %add3A_126 = arith.addi %mul3A_125, %get3A_122 : vector<16xi32>
      %shift_right_logical3A_127 = arith.constant 7 : i32
      %shift_right_logical3A_128 = vector.broadcast %shift_right_logical3A_127 : i32 to vector<16xi32>
      %shift_right_logical3A_129 = arith.shrui %add3A_126, %shift_right_logical3A_128 : vector<16xi32>
      %swap3A_130 = arith.constant 0 : i32
      %swap3A_131 = arith.index_cast %swap3A_130 : i32 to index
      %swap3A_132 = arith.constant 64 : index
      %swap3A_133 = tpu.vector_load %arg10[%swap3A_131, %swap3A_132] {strides = array<i32>} : memref<25x80xi32, #tpu.memory_space<vmem>>, vector<16xi32>,
      tpu.vector_store %arg10[%swap3A_131, %swap3A_132], %shift_right_logical3A_129 {strides = array<i32>} : memref<25x80xi32, #tpu.memory_space<vmem>>, vector<16xi32>,
      %and3A_134 = arith.constant 127 : i32
      %and3A_135 = vector.broadcast %and3A_134 : i32 to vector<16xi32>
      %and3A_136 = arith.andi %add3A_126, %and3A_135 : vector<16xi32>
      %swap3A_137 = arith.constant 64 : index
      %swap3A_138 = tpu.vector_load %arg11[%swap3A_137] {strides = array<i32>} : memref<80xi32, #tpu.memory_space<vmem>>, vector<16xi32>,
      tpu.vector_store %arg11[%swap3A_137], %and3A_136 {strides = array<i32>} : memref<80xi32, #tpu.memory_space<vmem>>, vector<16xi32>,
      %scan3A_139 = arith.constant 0 : i32
      %scan3A_140 = arith.constant 0 : i32
      %scan3A_141 = arith.constant 80 : i32
      %scan3A_142 = arith.addi %scan3A_140, %scan3A_141 : i32
      %scan3A_143 = arith.constant 1 : i32
      %scan3A_144 = scf.for %scan3A_448 = %scan3A_140 to %scan3A_142 step %scan3A_143 iter_args(%scan3A_449 = %scan3A_139) -> (i32)  : i32 {
        %broadcast_in_dim3A_450 = vector.broadcast %scan3A_448 : i32 to vector<16xi32>
        %gather3A = tpu.vector_load_idx %arg11[%broadcast_in_dim3A_450] : memref<80xi32, #tpu.memory_space<vmem>>[vector<16xi32>], vector<16xi32>,
        %add3A_451 = arith.constant 0 : i32
        %add3A_452 = vector.broadcast %add3A_451 : i32 to vector<16xi32>
        %add3A_453 = arith.addi %iota3A, %add3A_452 : vector<16xi32>
        %eq3A_454 = arith.cmpi eq, %add3A_453, %gather3A : vector<16xi32>
        %jit3A = arith.constant 1.000000e+00 : f32
        %jit3A_455 = arith.constant 0.000000e+00 : f32
        %broadcast_in_dim3A_456 = vector.broadcast %jit3A : f32 to vector<16xf32>
        %broadcast_in_dim3A_457 = vector.broadcast %jit3A_455 : f32 to vector<16xf32>
        %select_n3A = arith.select %eq3A_454, %broadcast_in_dim3A_456, %broadcast_in_dim3A_457 : vector<16xi1>, vector<16xf32>
        %swap3A_458 = arith.index_cast %scan3A_448 : i32 to index
        %swap3A_459 = arith.constant 0 : index
        %swap3A_460 = tpu.vector_load %arg12[%swap3A_458, %swap3A_459] {strides = array<i32>} : memref<80x128xf32, #tpu.memory_space<vmem>>, vector<16xf32>,
        tpu.vector_store %arg12[%swap3A_458, %swap3A_459], %select_n3A {strides = array<i32>} : memref<80x128xf32, #tpu.memory_space<vmem>>, vector<16xf32>,
        %add3A_461 = arith.constant 16 : i32
        %add3A_462 = vector.broadcast %add3A_461 : i32 to vector<16xi32>
        %add3A_463 = arith.addi %iota3A, %add3A_462 : vector<16xi32>
        %eq3A_464 = arith.cmpi eq, %add3A_463, %gather3A : vector<16xi32>
        %jit3A_465 = arith.constant 1.000000e+00 : f32
        %jit3A_466 = arith.constant 0.000000e+00 : f32
        %broadcast_in_dim3A_467 = vector.broadcast %jit3A_465 : f32 to vector<16xf32>
        %broadcast_in_dim3A_468 = vector.broadcast %jit3A_466 : f32 to vector<16xf32>
        %select_n3A_469 = arith.select %eq3A_464, %broadcast_in_dim3A_467, %broadcast_in_dim3A_468 : vector<16xi1>, vector<16xf32>
        %swap3A_470 = arith.index_cast %scan3A_448 : i32 to index
        %swap3A_471 = arith.constant 16 : index
        %swap3A_472 = tpu.vector_load %arg12[%swap3A_470, %swap3A_471] {strides = array<i32>} : memref<80x128xf32, #tpu.memory_space<vmem>>, vector<16xf32>,
        tpu.vector_store %arg12[%swap3A_470, %swap3A_471], %select_n3A_469 {strides = array<i32>} : memref<80x128xf32, #tpu.memory_space<vmem>>, vector<16xf32>,
        %add3A_473 = arith.constant 32 : i32
        %add3A_474 = vector.broadcast %add3A_473 : i32 to vector<16xi32>
        %add3A_475 = arith.addi %iota3A, %add3A_474 : vector<16xi32>
        %eq3A_476 = arith.cmpi eq, %add3A_475, %gather3A : vector<16xi32>
        %jit3A_477 = arith.constant 1.000000e+00 : f32
        %jit3A_478 = arith.constant 0.000000e+00 : f32
        %broadcast_in_dim3A_479 = vector.broadcast %jit3A_477 : f32 to vector<16xf32>
        %broadcast_in_dim3A_480 = vector.broadcast %jit3A_478 : f32 to vector<16xf32>
        %select_n3A_481 = arith.select %eq3A_476, %broadcast_in_dim3A_479, %broadcast_in_dim3A_480 : vector<16xi1>, vector<16xf32>
        %swap3A_482 = arith.index_cast %scan3A_448 : i32 to index
        %swap3A_483 = arith.constant 32 : index
        %swap3A_484 = tpu.vector_load %arg12[%swap3A_482, %swap3A_483] {strides = array<i32>} : memref<80x128xf32, #tpu.memory_space<vmem>>, vector<16xf32>,
        tpu.vector_store %arg12[%swap3A_482, %swap3A_483], %select_n3A_481 {strides = array<i32>} : memref<80x128xf32, #tpu.memory_space<vmem>>, vector<16xf32>,
        %add3A_485 = arith.constant 48 : i32
        %add3A_486 = vector.broadcast %add3A_485 : i32 to vector<16xi32>
        %add3A_487 = arith.addi %iota3A, %add3A_486 : vector<16xi32>
        %eq3A_488 = arith.cmpi eq, %add3A_487, %gather3A : vector<16xi32>
        %jit3A_489 = arith.constant 1.000000e+00 : f32
        %jit3A_490 = arith.constant 0.000000e+00 : f32
        %broadcast_in_dim3A_491 = vector.broadcast %jit3A_489 : f32 to vector<16xf32>
        %broadcast_in_dim3A_492 = vector.broadcast %jit3A_490 : f32 to vector<16xf32>
        %select_n3A_493 = arith.select %eq3A_488, %broadcast_in_dim3A_491, %broadcast_in_dim3A_492 : vector<16xi1>, vector<16xf32>
        %swap3A_494 = arith.index_cast %scan3A_448 : i32 to index
        %swap3A_495 = arith.constant 48 : index
        %swap3A_496 = tpu.vector_load %arg12[%swap3A_494, %swap3A_495] {strides = array<i32>} : memref<80x128xf32, #tpu.memory_space<vmem>>, vector<16xf32>,
        tpu.vector_store %arg12[%swap3A_494, %swap3A_495], %select_n3A_493 {strides = array<i32>} : memref<80x128xf32, #tpu.memory_space<vmem>>, vector<16xf32>,
        %add3A_497 = arith.constant 64 : i32
        %add3A_498 = vector.broadcast %add3A_497 : i32 to vector<16xi32>
        %add3A_499 = arith.addi %iota3A, %add3A_498 : vector<16xi32>
        %eq3A_500 = arith.cmpi eq, %add3A_499, %gather3A : vector<16xi32>
        %jit3A_501 = arith.constant 1.000000e+00 : f32
        %jit3A_502 = arith.constant 0.000000e+00 : f32
        %broadcast_in_dim3A_503 = vector.broadcast %jit3A_501 : f32 to vector<16xf32>
        %broadcast_in_dim3A_504 = vector.broadcast %jit3A_502 : f32 to vector<16xf32>
        %select_n3A_505 = arith.select %eq3A_500, %broadcast_in_dim3A_503, %broadcast_in_dim3A_504 : vector<16xi1>, vector<16xf32>
        %swap3A_506 = arith.index_cast %scan3A_448 : i32 to index
        %swap3A_507 = arith.constant 64 : index
        %swap3A_508 = tpu.vector_load %arg12[%swap3A_506, %swap3A_507] {strides = array<i32>} : memref<80x128xf32, #tpu.memory_space<vmem>>, vector<16xf32>,
        tpu.vector_store %arg12[%swap3A_506, %swap3A_507], %select_n3A_505 {strides = array<i32>} : memref<80x128xf32, #tpu.memory_space<vmem>>, vector<16xf32>,
        %add3A_509 = arith.constant 80 : i32
        %add3A_510 = vector.broadcast %add3A_509 : i32 to vector<16xi32>
        %add3A_511 = arith.addi %iota3A, %add3A_510 : vector<16xi32>
        %eq3A_512 = arith.cmpi eq, %add3A_511, %gather3A : vector<16xi32>
        %jit3A_513 = arith.constant 1.000000e+00 : f32
        %jit3A_514 = arith.constant 0.000000e+00 : f32
        %broadcast_in_dim3A_515 = vector.broadcast %jit3A_513 : f32 to vector<16xf32>
        %broadcast_in_dim3A_516 = vector.broadcast %jit3A_514 : f32 to vector<16xf32>
        %select_n3A_517 = arith.select %eq3A_512, %broadcast_in_dim3A_515, %broadcast_in_dim3A_516 : vector<16xi1>, vector<16xf32>
        %swap3A_518 = arith.index_cast %scan3A_448 : i32 to index
        %swap3A_519 = arith.constant 80 : index
        %swap3A_520 = tpu.vector_load %arg12[%swap3A_518, %swap3A_519] {strides = array<i32>} : memref<80x128xf32, #tpu.memory_space<vmem>>, vector<16xf32>,
        tpu.vector_store %arg12[%swap3A_518, %swap3A_519], %select_n3A_517 {strides = array<i32>} : memref<80x128xf32, #tpu.memory_space<vmem>>, vector<16xf32>,
        %add3A_521 = arith.constant 96 : i32
        %add3A_522 = vector.broadcast %add3A_521 : i32 to vector<16xi32>
        %add3A_523 = arith.addi %iota3A, %add3A_522 : vector<16xi32>
        %eq3A_524 = arith.cmpi eq, %add3A_523, %gather3A : vector<16xi32>
        %jit3A_525 = arith.constant 1.000000e+00 : f32
        %jit3A_526 = arith.constant 0.000000e+00 : f32
        %broadcast_in_dim3A_527 = vector.broadcast %jit3A_525 : f32 to vector<16xf32>
        %broadcast_in_dim3A_528 = vector.broadcast %jit3A_526 : f32 to vector<16xf32>
        %select_n3A_529 = arith.select %eq3A_524, %broadcast_in_dim3A_527, %broadcast_in_dim3A_528 : vector<16xi1>, vector<16xf32>
        %swap3A_530 = arith.index_cast %scan3A_448 : i32 to index
        %swap3A_531 = arith.constant 96 : index
        %swap3A_532 = tpu.vector_load %arg12[%swap3A_530, %swap3A_531] {strides = array<i32>} : memref<80x128xf32, #tpu.memory_space<vmem>>, vector<16xf32>,
        tpu.vector_store %arg12[%swap3A_530, %swap3A_531], %select_n3A_529 {strides = array<i32>} : memref<80x128xf32, #tpu.memory_space<vmem>>, vector<16xf32>,
        %add3A_533 = arith.constant 112 : i32
        %add3A_534 = vector.broadcast %add3A_533 : i32 to vector<16xi32>
        %add3A_535 = arith.addi %iota3A, %add3A_534 : vector<16xi32>
        %eq3A_536 = arith.cmpi eq, %add3A_535, %gather3A : vector<16xi32>
        %jit3A_537 = arith.constant 1.000000e+00 : f32
        %jit3A_538 = arith.constant 0.000000e+00 : f32
        %broadcast_in_dim3A_539 = vector.broadcast %jit3A_537 : f32 to vector<16xf32>
        %broadcast_in_dim3A_540 = vector.broadcast %jit3A_538 : f32 to vector<16xf32>
        %select_n3A_541 = arith.select %eq3A_536, %broadcast_in_dim3A_539, %broadcast_in_dim3A_540 : vector<16xi1>, vector<16xf32>
        %swap3A_542 = arith.index_cast %scan3A_448 : i32 to index
        %swap3A_543 = arith.constant 112 : index
        %swap3A_544 = tpu.vector_load %arg12[%swap3A_542, %swap3A_543] {strides = array<i32>} : memref<80x128xf32, #tpu.memory_space<vmem>>, vector<16xf32>,
        tpu.vector_store %arg12[%swap3A_542, %swap3A_543], %select_n3A_541 {strides = array<i32>} : memref<80x128xf32, #tpu.memory_space<vmem>>, vector<16xf32>,
        %scan3A_545 = arith.constant 0 : i32
        scf.yield %scan3A_545 : i32
      }
      %scan3A_145 = arith.constant 80 : i32
      %dma_start3A = arith.constant 0 : i32
      %dma_start3A_146 = arith.constant 0 : i32
      %dma_start3A_147 = tpu.memref_slice %arg10[%dma_start3A, %dma_start3A_146] : memref<25x80xi32, #tpu.memory_space<vmem>> -> memref<1x80xi32, #tpu.memory_space<vmem>>
      %dma_start3A_148 = tpu.memref_squeeze %dma_start3A_147 : memref<1x80xi32, #tpu.memory_space<vmem>> -> memref<80xi32, #tpu.memory_space<vmem>>
      %dma_start3A_149 = arith.constant 0 : i32
      %dma_start3A_150 = arith.constant 0 : i32
      %dma_start3A_151 = tpu.memref_slice %arg6[%dma_start3A_149, %dma_start3A_150] : memref<625x128xf32, #tpu.memory_space<vmem_shared>> -> memref<625x128xf32, #tpu.memory_space<vmem_shared>>
      tpu.enqueue_indirect_dma source(%arg12 : memref<80x128xf32, #tpu.memory_space<vmem>>) target(%dma_start3A_151 : memref<625x128xf32, #tpu.memory_space<vmem_shared>>) offsets(%dma_start3A_148 : memref<80xi32, #tpu.memory_space<vmem>>) semaphore(%arg14 : memref<!tpu.dma_semaphore, #tpu.memory_space<semaphore_mem>>) {add = true}
      %get3A_152 = arith.constant 1 : i32
      %get3A_153 = arith.index_cast %get3A_152 : i32 to index
      %get3A_154 = arith.constant 0 : index
      %get3A_155 = tpu.vector_load %arg8[%get3A_153, %get3A_154] {strides = array<i32>} : memref<25x80xi32, #tpu.memory_space<vmem>>, vector<16xi32>,
      %get3A_156 = arith.constant 1 : i32
      %get3A_157 = arith.index_cast %get3A_156 : i32 to index
      %get3A_158 = arith.constant 0 : index
      %get3A_159 = tpu.vector_load %arg9[%get3A_157, %get3A_158] {strides = array<i32>} : memref<25x80xi32, #tpu.memory_space<vmem>>, vector<16xi32>,
      %mul3A_160 = arith.constant 10000 : i32
      %mul3A_161 = vector.broadcast %mul3A_160 : i32 to vector<16xi32>
      %mul3A_162 = arith.muli %get3A_155, %mul3A_161 : vector<16xi32>
      %add3A_163 = arith.addi %mul3A_162, %get3A_159 : vector<16xi32>
      %shift_right_logical3A_164 = arith.constant 7 : i32
      %shift_right_logical3A_165 = vector.broadcast %shift_right_logical3A_164 : i32 to vector<16xi32>
      %shift_right_logical3A_166 = arith.shrui %add3A_163, %shift_right_logical3A_165 : vector<16xi32>
      %swap3A_167 = arith.constant 1 : i32
      %swap3A_168 = arith.index_cast %swap3A_167 : i32 to index
      %swap3A_169 = arith.constant 0 : index
      %swap3A_170 = tpu.vector_load %arg10[%swap3A_168, %swap3A_169] {strides = array<i32>} : memref<25x80xi32, #tpu.memory_space<vmem>>, vector<16xi32>,
      tpu.vector_store %arg10[%swap3A_168, %swap3A_169], %shift_right_logical3A_166 {strides = array<i32>} : memref<25x80xi32, #tpu.memory_space<vmem>>, vector<16xi32>,
      %and3A_171 = arith.constant 127 : i32
      %and3A_172 = vector.broadcast %and3A_171 : i32 to vector<16xi32>
      %and3A_173 = arith.andi %add3A_163, %and3A_172 : vector<16xi32>
      %swap3A_174 = arith.constant 0 : index
      %swap3A_175 = tpu.vector_load %arg11[%swap3A_174] {strides = array<i32>} : memref<80xi32, #tpu.memory_space<vmem>>, vector<16xi32>,
      tpu.vector_store %arg11[%swap3A_174], %and3A_173 {strides = array<i32>} : memref<80xi32, #tpu.memory_space<vmem>>, vector<16xi32>,
      %get3A_176 = arith.constant 1 : i32
      %get3A_177 = arith.index_cast %get3A_176 : i32 to index
      %get3A_178 = arith.constant 16 : index
      %get3A_179 = tpu.vector_load %arg8[%get3A_177, %get3A_178] {strides = array<i32>} : memref<25x80xi32, #tpu.memory_space<vmem>>, vector<16xi32>,
      %get3A_180 = arith.constant 1 : i32
      %get3A_181 = arith.index_cast %get3A_180 : i32 to index
      %get3A_182 = arith.constant 16 : index
      %get3A_183 = tpu.vector_load %arg9[%get3A_181, %get3A_182] {strides = array<i32>} : memref<25x80xi32, #tpu.memory_space<vmem>>, vector<16xi32>,
      %mul3A_184 = arith.constant 10000 : i32
      %mul3A_185 = vector.broadcast %mul3A_184 : i32 to vector<16xi32>
      %mul3A_186 = arith.muli %get3A_179, %mul3A_185 : vector<16xi32>
      %add3A_187 = arith.addi %mul3A_186, %get3A_183 : vector<16xi32>
      %shift_right_logical3A_188 = arith.constant 7 : i32
      %shift_right_logical3A_189 = vector.broadcast %shift_right_logical3A_188 : i32 to vector<16xi32>
      %shift_right_logical3A_190 = arith.shrui %add3A_187, %shift_right_logical3A_189 : vector<16xi32>
      %swap3A_191 = arith.constant 1 : i32
      %swap3A_192 = arith.index_cast %swap3A_191 : i32 to index
      %swap3A_193 = arith.constant 16 : index
      %swap3A_194 = tpu.vector_load %arg10[%swap3A_192, %swap3A_193] {strides = array<i32>} : memref<25x80xi32, #tpu.memory_space<vmem>>, vector<16xi32>,
      tpu.vector_store %arg10[%swap3A_192, %swap3A_193], %shift_right_logical3A_190 {strides = array<i32>} : memref<25x80xi32, #tpu.memory_space<vmem>>, vector<16xi32>,
      %and3A_195 = arith.constant 127 : i32
      %and3A_196 = vector.broadcast %and3A_195 : i32 to vector<16xi32>
      %and3A_197 = arith.andi %add3A_187, %and3A_196 : vector<16xi32>
      %swap3A_198 = arith.constant 16 : index
      %swap3A_199 = tpu.vector_load %arg11[%swap3A_198] {strides = array<i32>} : memref<80xi32, #tpu.memory_space<vmem>>, vector<16xi32>,
      tpu.vector_store %arg11[%swap3A_198], %and3A_197 {strides = array<i32>} : memref<80xi32, #tpu.memory_space<vmem>>, vector<16xi32>,
      %get3A_200 = arith.constant 1 : i32
      %get3A_201 = arith.index_cast %get3A_200 : i32 to index
      %get3A_202 = arith.constant 32 : index
      %get3A_203 = tpu.vector_load %arg8[%get3A_201, %get3A_202] {strides = array<i32>} : memref<25x80xi32, #tpu.memory_space<vmem>>, vector<16xi32>,
      %get3A_204 = arith.constant 1 : i32
      %get3A_205 = arith.index_cast %get3A_204 : i32 to index
      %get3A_206 = arith.constant 32 : index
      %get3A_207 = tpu.vector_load %arg9[%get3A_205, %get3A_206] {strides = array<i32>} : memref<25x80xi32, #tpu.memory_space<vmem>>, vector<16xi32>,
      %mul3A_208 = arith.constant 10000 : i32
      %mul3A_209 = vector.broadcast %mul3A_208 : i32 to vector<16xi32>
      %mul3A_210 = arith.muli %get3A_203, %mul3A_209 : vector<16xi32>
      %add3A_211 = arith.addi %mul3A_210, %get3A_207 : vector<16xi32>
      %shift_right_logical3A_212 = arith.constant 7 : i32
      %shift_right_logical3A_213 = vector.broadcast %shift_right_logical3A_212 : i32 to vector<16xi32>
      %shift_right_logical3A_214 = arith.shrui %add3A_211, %shift_right_logical3A_213 : vector<16xi32>
      %swap3A_215 = arith.constant 1 : i32
      %swap3A_216 = arith.index_cast %swap3A_215 : i32 to index
      %swap3A_217 = arith.constant 32 : index
      %swap3A_218 = tpu.vector_load %arg10[%swap3A_216, %swap3A_217] {strides = array<i32>} : memref<25x80xi32, #tpu.memory_space<vmem>>, vector<16xi32>,
      tpu.vector_store %arg10[%swap3A_216, %swap3A_217], %shift_right_logical3A_214 {strides = array<i32>} : memref<25x80xi32, #tpu.memory_space<vmem>>, vector<16xi32>,
      %and3A_219 = arith.constant 127 : i32
      %and3A_220 = vector.broadcast %and3A_219 : i32 to vector<16xi32>
      %and3A_221 = arith.andi %add3A_211, %and3A_220 : vector<16xi32>
      %swap3A_222 = arith.constant 32 : index
      %swap3A_223 = tpu.vector_load %arg11[%swap3A_222] {strides = array<i32>} : memref<80xi32, #tpu.memory_space<vmem>>, vector<16xi32>,
      tpu.vector_store %arg11[%swap3A_222], %and3A_221 {strides = array<i32>} : memref<80xi32, #tpu.memory_space<vmem>>, vector<16xi32>,
      %get3A_224 = arith.constant 1 : i32
      %get3A_225 = arith.index_cast %get3A_224 : i32 to index
      %get3A_226 = arith.constant 48 : index
      %get3A_227 = tpu.vector_load %arg8[%get3A_225, %get3A_226] {strides = array<i32>} : memref<25x80xi32, #tpu.memory_space<vmem>>, vector<16xi32>,
      %get3A_228 = arith.constant 1 : i32
      %get3A_229 = arith.index_cast %get3A_228 : i32 to index
      %get3A_230 = arith.constant 48 : index
      %get3A_231 = tpu.vector_load %arg9[%get3A_229, %get3A_230] {strides = array<i32>} : memref<25x80xi32, #tpu.memory_space<vmem>>, vector<16xi32>,
      %mul3A_232 = arith.constant 10000 : i32
      %mul3A_233 = vector.broadcast %mul3A_232 : i32 to vector<16xi32>
      %mul3A_234 = arith.muli %get3A_227, %mul3A_233 : vector<16xi32>
      %add3A_235 = arith.addi %mul3A_234, %get3A_231 : vector<16xi32>
      %shift_right_logical3A_236 = arith.constant 7 : i32
      %shift_right_logical3A_237 = vector.broadcast %shift_right_logical3A_236 : i32 to vector<16xi32>
      %shift_right_logical3A_238 = arith.shrui %add3A_235, %shift_right_logical3A_237 : vector<16xi32>
      %swap3A_239 = arith.constant 1 : i32
      %swap3A_240 = arith.index_cast %swap3A_239 : i32 to index
      %swap3A_241 = arith.constant 48 : index
      %swap3A_242 = tpu.vector_load %arg10[%swap3A_240, %swap3A_241] {strides = array<i32>} : memref<25x80xi32, #tpu.memory_space<vmem>>, vector<16xi32>,
      tpu.vector_store %arg10[%swap3A_240, %swap3A_241], %shift_right_logical3A_238 {strides = array<i32>} : memref<25x80xi32, #tpu.memory_space<vmem>>, vector<16xi32>,
      %and3A_243 = arith.constant 127 : i32
      %and3A_244 = vector.broadcast %and3A_243 : i32 to vector<16xi32>
      %and3A_245 = arith.andi %add3A_235, %and3A_244 : vector<16xi32>
      %swap3A_246 = arith.constant 48 : index
      %swap3A_247 = tpu.vector_load %arg11[%swap3A_246] {strides = array<i32>} : memref<80xi32, #tpu.memory_space<vmem>>, vector<16xi32>,
      tpu.vector_store %arg11[%swap3A_246], %and3A_245 {strides = array<i32>} : memref<80xi32, #tpu.memory_space<vmem>>, vector<16xi32>,
      %get3A_248 = arith.constant 1 : i32
      %get3A_249 = arith.index_cast %get3A_248 : i32 to index
      %get3A_250 = arith.constant 64 : index
      %get3A_251 = tpu.vector_load %arg8[%get3A_249, %get3A_250] {strides = array<i32>} : memref<25x80xi32, #tpu.memory_space<vmem>>, vector<16xi32>,
      %get3A_252 = arith.constant 1 : i32
      %get3A_253 = arith.index_cast %get3A_252 : i32 to index
      %get3A_254 = arith.constant 64 : index
      %get3A_255 = tpu.vector_load %arg9[%get3A_253, %get3A_254] {strides = array<i32>} : memref<25x80xi32, #tpu.memory_space<vmem>>, vector<16xi32>,
      %mul3A_256 = arith.constant 10000 : i32
      %mul3A_257 = vector.broadcast %mul3A_256 : i32 to vector<16xi32>
      %mul3A_258 = arith.muli %get3A_251, %mul3A_257 : vector<16xi32>
      %add3A_259 = arith.addi %mul3A_258, %get3A_255 : vector<16xi32>
      %shift_right_logical3A_260 = arith.constant 7 : i32
      %shift_right_logical3A_261 = vector.broadcast %shift_right_logical3A_260 : i32 to vector<16xi32>
      %shift_right_logical3A_262 = arith.shrui %add3A_259, %shift_right_logical3A_261 : vector<16xi32>
      %swap3A_263 = arith.constant 1 : i32
      %swap3A_264 = arith.index_cast %swap3A_263 : i32 to index
      %swap3A_265 = arith.constant 64 : index
      %swap3A_266 = tpu.vector_load %arg10[%swap3A_264, %swap3A_265] {strides = array<i32>} : memref<25x80xi32, #tpu.memory_space<vmem>>, vector<16xi32>,
      tpu.vector_store %arg10[%swap3A_264, %swap3A_265], %shift_right_logical3A_262 {strides = array<i32>} : memref<25x80xi32, #tpu.memory_space<vmem>>, vector<16xi32>,
      %and3A_267 = arith.constant 127 : i32
      %and3A_268 = vector.broadcast %and3A_267 : i32 to vector<16xi32>
      %and3A_269 = arith.andi %add3A_259, %and3A_268 : vector<16xi32>
      %swap3A_270 = arith.constant 64 : index
      %swap3A_271 = tpu.vector_load %arg11[%swap3A_270] {strides = array<i32>} : memref<80xi32, #tpu.memory_space<vmem>>, vector<16xi32>,
      tpu.vector_store %arg11[%swap3A_270], %and3A_269 {strides = array<i32>} : memref<80xi32, #tpu.memory_space<vmem>>, vector<16xi32>,
      %scan3A_272 = arith.constant 0 : i32
      %scan3A_273 = arith.constant 0 : i32
      %scan3A_274 = arith.constant 80 : i32
      %scan3A_275 = arith.addi %scan3A_273, %scan3A_274 : i32
      %scan3A_276 = arith.constant 1 : i32
      %scan3A_277 = scf.for %scan3A_448 = %scan3A_273 to %scan3A_275 step %scan3A_276 iter_args(%scan3A_449 = %scan3A_272) -> (i32)  : i32 {
        %broadcast_in_dim3A_450 = vector.broadcast %scan3A_448 : i32 to vector<16xi32>
        %gather3A = tpu.vector_load_idx %arg11[%broadcast_in_dim3A_450] : memref<80xi32, #tpu.memory_space<vmem>>[vector<16xi32>], vector<16xi32>,
        %add3A_451 = arith.constant 0 : i32
        %add3A_452 = vector.broadcast %add3A_451 : i32 to vector<16xi32>
        %add3A_453 = arith.addi %iota3A, %add3A_452 : vector<16xi32>
        %eq3A_454 = arith.cmpi eq, %add3A_453, %gather3A : vector<16xi32>
        %jit3A = arith.constant 1.000000e+00 : f32
        %jit3A_455 = arith.constant 0.000000e+00 : f32
        %broadcast_in_dim3A_456 = vector.broadcast %jit3A : f32 to vector<16xf32>
        %broadcast_in_dim3A_457 = vector.broadcast %jit3A_455 : f32 to vector<16xf32>
        %select_n3A = arith.select %eq3A_454, %broadcast_in_dim3A_456, %broadcast_in_dim3A_457 : vector<16xi1>, vector<16xf32>
        %swap3A_458 = arith.index_cast %scan3A_448 : i32 to index
        %swap3A_459 = arith.constant 0 : index
        %swap3A_460 = tpu.vector_load %arg13[%swap3A_458, %swap3A_459] {strides = array<i32>} : memref<80x128xf32, #tpu.memory_space<vmem>>, vector<16xf32>,
        tpu.vector_store %arg13[%swap3A_458, %swap3A_459], %select_n3A {strides = array<i32>} : memref<80x128xf32, #tpu.memory_space<vmem>>, vector<16xf32>,
        %add3A_461 = arith.constant 16 : i32
        %add3A_462 = vector.broadcast %add3A_461 : i32 to vector<16xi32>
        %add3A_463 = arith.addi %iota3A, %add3A_462 : vector<16xi32>
        %eq3A_464 = arith.cmpi eq, %add3A_463, %gather3A : vector<16xi32>
        %jit3A_465 = arith.constant 1.000000e+00 : f32
        %jit3A_466 = arith.constant 0.000000e+00 : f32
        %broadcast_in_dim3A_467 = vector.broadcast %jit3A_465 : f32 to vector<16xf32>
        %broadcast_in_dim3A_468 = vector.broadcast %jit3A_466 : f32 to vector<16xf32>
        %select_n3A_469 = arith.select %eq3A_464, %broadcast_in_dim3A_467, %broadcast_in_dim3A_468 : vector<16xi1>, vector<16xf32>
        %swap3A_470 = arith.index_cast %scan3A_448 : i32 to index
        %swap3A_471 = arith.constant 16 : index
        %swap3A_472 = tpu.vector_load %arg13[%swap3A_470, %swap3A_471] {strides = array<i32>} : memref<80x128xf32, #tpu.memory_space<vmem>>, vector<16xf32>,
        tpu.vector_store %arg13[%swap3A_470, %swap3A_471], %select_n3A_469 {strides = array<i32>} : memref<80x128xf32, #tpu.memory_space<vmem>>, vector<16xf32>,
        %add3A_473 = arith.constant 32 : i32
        %add3A_474 = vector.broadcast %add3A_473 : i32 to vector<16xi32>
        %add3A_475 = arith.addi %iota3A, %add3A_474 : vector<16xi32>
        %eq3A_476 = arith.cmpi eq, %add3A_475, %gather3A : vector<16xi32>
        %jit3A_477 = arith.constant 1.000000e+00 : f32
        %jit3A_478 = arith.constant 0.000000e+00 : f32
        %broadcast_in_dim3A_479 = vector.broadcast %jit3A_477 : f32 to vector<16xf32>
        %broadcast_in_dim3A_480 = vector.broadcast %jit3A_478 : f32 to vector<16xf32>
        %select_n3A_481 = arith.select %eq3A_476, %broadcast_in_dim3A_479, %broadcast_in_dim3A_480 : vector<16xi1>, vector<16xf32>
        %swap3A_482 = arith.index_cast %scan3A_448 : i32 to index
        %swap3A_483 = arith.constant 32 : index
        %swap3A_484 = tpu.vector_load %arg13[%swap3A_482, %swap3A_483] {strides = array<i32>} : memref<80x128xf32, #tpu.memory_space<vmem>>, vector<16xf32>,
        tpu.vector_store %arg13[%swap3A_482, %swap3A_483], %select_n3A_481 {strides = array<i32>} : memref<80x128xf32, #tpu.memory_space<vmem>>, vector<16xf32>,
        %add3A_485 = arith.constant 48 : i32
        %add3A_486 = vector.broadcast %add3A_485 : i32 to vector<16xi32>
        %add3A_487 = arith.addi %iota3A, %add3A_486 : vector<16xi32>
        %eq3A_488 = arith.cmpi eq, %add3A_487, %gather3A : vector<16xi32>
        %jit3A_489 = arith.constant 1.000000e+00 : f32
        %jit3A_490 = arith.constant 0.000000e+00 : f32
        %broadcast_in_dim3A_491 = vector.broadcast %jit3A_489 : f32 to vector<16xf32>
        %broadcast_in_dim3A_492 = vector.broadcast %jit3A_490 : f32 to vector<16xf32>
        %select_n3A_493 = arith.select %eq3A_488, %broadcast_in_dim3A_491, %broadcast_in_dim3A_492 : vector<16xi1>, vector<16xf32>
        %swap3A_494 = arith.index_cast %scan3A_448 : i32 to index
        %swap3A_495 = arith.constant 48 : index
        %swap3A_496 = tpu.vector_load %arg13[%swap3A_494, %swap3A_495] {strides = array<i32>} : memref<80x128xf32, #tpu.memory_space<vmem>>, vector<16xf32>,
        tpu.vector_store %arg13[%swap3A_494, %swap3A_495], %select_n3A_493 {strides = array<i32>} : memref<80x128xf32, #tpu.memory_space<vmem>>, vector<16xf32>,
        %add3A_497 = arith.constant 64 : i32
        %add3A_498 = vector.broadcast %add3A_497 : i32 to vector<16xi32>
        %add3A_499 = arith.addi %iota3A, %add3A_498 : vector<16xi32>
        %eq3A_500 = arith.cmpi eq, %add3A_499, %gather3A : vector<16xi32>
        %jit3A_501 = arith.constant 1.000000e+00 : f32
        %jit3A_502 = arith.constant 0.000000e+00 : f32
        %broadcast_in_dim3A_503 = vector.broadcast %jit3A_501 : f32 to vector<16xf32>
        %broadcast_in_dim3A_504 = vector.broadcast %jit3A_502 : f32 to vector<16xf32>
        %select_n3A_505 = arith.select %eq3A_500, %broadcast_in_dim3A_503, %broadcast_in_dim3A_504 : vector<16xi1>, vector<16xf32>
        %swap3A_506 = arith.index_cast %scan3A_448 : i32 to index
        %swap3A_507 = arith.constant 64 : index
        %swap3A_508 = tpu.vector_load %arg13[%swap3A_506, %swap3A_507] {strides = array<i32>} : memref<80x128xf32, #tpu.memory_space<vmem>>, vector<16xf32>,
        tpu.vector_store %arg13[%swap3A_506, %swap3A_507], %select_n3A_505 {strides = array<i32>} : memref<80x128xf32, #tpu.memory_space<vmem>>, vector<16xf32>,
        %add3A_509 = arith.constant 80 : i32
        %add3A_510 = vector.broadcast %add3A_509 : i32 to vector<16xi32>
        %add3A_511 = arith.addi %iota3A, %add3A_510 : vector<16xi32>
        %eq3A_512 = arith.cmpi eq, %add3A_511, %gather3A : vector<16xi32>
        %jit3A_513 = arith.constant 1.000000e+00 : f32
        %jit3A_514 = arith.constant 0.000000e+00 : f32
        %broadcast_in_dim3A_515 = vector.broadcast %jit3A_513 : f32 to vector<16xf32>
        %broadcast_in_dim3A_516 = vector.broadcast %jit3A_514 : f32 to vector<16xf32>
        %select_n3A_517 = arith.select %eq3A_512, %broadcast_in_dim3A_515, %broadcast_in_dim3A_516 : vector<16xi1>, vector<16xf32>
        %swap3A_518 = arith.index_cast %scan3A_448 : i32 to index
        %swap3A_519 = arith.constant 80 : index
        %swap3A_520 = tpu.vector_load %arg13[%swap3A_518, %swap3A_519] {strides = array<i32>} : memref<80x128xf32, #tpu.memory_space<vmem>>, vector<16xf32>,
        tpu.vector_store %arg13[%swap3A_518, %swap3A_519], %select_n3A_517 {strides = array<i32>} : memref<80x128xf32, #tpu.memory_space<vmem>>, vector<16xf32>,
        %add3A_521 = arith.constant 96 : i32
        %add3A_522 = vector.broadcast %add3A_521 : i32 to vector<16xi32>
        %add3A_523 = arith.addi %iota3A, %add3A_522 : vector<16xi32>
        %eq3A_524 = arith.cmpi eq, %add3A_523, %gather3A : vector<16xi32>
        %jit3A_525 = arith.constant 1.000000e+00 : f32
        %jit3A_526 = arith.constant 0.000000e+00 : f32
        %broadcast_in_dim3A_527 = vector.broadcast %jit3A_525 : f32 to vector<16xf32>
        %broadcast_in_dim3A_528 = vector.broadcast %jit3A_526 : f32 to vector<16xf32>
        %select_n3A_529 = arith.select %eq3A_524, %broadcast_in_dim3A_527, %broadcast_in_dim3A_528 : vector<16xi1>, vector<16xf32>
        %swap3A_530 = arith.index_cast %scan3A_448 : i32 to index
        %swap3A_531 = arith.constant 96 : index
        %swap3A_532 = tpu.vector_load %arg13[%swap3A_530, %swap3A_531] {strides = array<i32>} : memref<80x128xf32, #tpu.memory_space<vmem>>, vector<16xf32>,
        tpu.vector_store %arg13[%swap3A_530, %swap3A_531], %select_n3A_529 {strides = array<i32>} : memref<80x128xf32, #tpu.memory_space<vmem>>, vector<16xf32>,
        %add3A_533 = arith.constant 112 : i32
        %add3A_534 = vector.broadcast %add3A_533 : i32 to vector<16xi32>
        %add3A_535 = arith.addi %iota3A, %add3A_534 : vector<16xi32>
        %eq3A_536 = arith.cmpi eq, %add3A_535, %gather3A : vector<16xi32>
        %jit3A_537 = arith.constant 1.000000e+00 : f32
        %jit3A_538 = arith.constant 0.000000e+00 : f32
        %broadcast_in_dim3A_539 = vector.broadcast %jit3A_537 : f32 to vector<16xf32>
        %broadcast_in_dim3A_540 = vector.broadcast %jit3A_538 : f32 to vector<16xf32>
        %select_n3A_541 = arith.select %eq3A_536, %broadcast_in_dim3A_539, %broadcast_in_dim3A_540 : vector<16xi1>, vector<16xf32>
        %swap3A_542 = arith.index_cast %scan3A_448 : i32 to index
        %swap3A_543 = arith.constant 112 : index
        %swap3A_544 = tpu.vector_load %arg13[%swap3A_542, %swap3A_543] {strides = array<i32>} : memref<80x128xf32, #tpu.memory_space<vmem>>, vector<16xf32>,
        tpu.vector_store %arg13[%swap3A_542, %swap3A_543], %select_n3A_541 {strides = array<i32>} : memref<80x128xf32, #tpu.memory_space<vmem>>, vector<16xf32>,
        %scan3A_545 = arith.constant 0 : i32
        scf.yield %scan3A_545 : i32
      }
      %scan3A_278 = arith.constant 80 : i32
      %dma_start3A_279 = arith.constant 1 : i32
      %dma_start3A_280 = arith.constant 0 : i32
      %dma_start3A_281 = tpu.memref_slice %arg10[%dma_start3A_279, %dma_start3A_280] : memref<25x80xi32, #tpu.memory_space<vmem>> -> memref<1x80xi32, #tpu.memory_space<vmem>>
      %dma_start3A_282 = tpu.memref_squeeze %dma_start3A_281 : memref<1x80xi32, #tpu.memory_space<vmem>> -> memref<80xi32, #tpu.memory_space<vmem>>
      %dma_start3A_283 = arith.constant 0 : i32
      %dma_start3A_284 = arith.constant 0 : i32
      %dma_start3A_285 = tpu.memref_slice %arg6[%dma_start3A_283, %dma_start3A_284] : memref<625x128xf32, #tpu.memory_space<vmem_shared>> -> memref<625x128xf32, #tpu.memory_space<vmem_shared>>
      tpu.enqueue_indirect_dma source(%arg13 : memref<80x128xf32, #tpu.memory_space<vmem>>) target(%dma_start3A_285 : memref<625x128xf32, #tpu.memory_space<vmem_shared>>) offsets(%dma_start3A_282 : memref<80xi32, #tpu.memory_space<vmem>>) semaphore(%arg15 : memref<!tpu.dma_semaphore, #tpu.memory_space<semaphore_mem>>) {add = true}
      %scan3A_286 = arith.constant 0 : i32
      %scan3A_287 = arith.constant 0 : i32
      %scan3A_288 = arith.constant 11 : i32
      %scan3A_289 = arith.addi %scan3A_287, %scan3A_288 : i32
      %scan3A_290 = arith.constant 1 : i32
      %scan3A_291 = scf.for %scan3A_448 = %scan3A_287 to %scan3A_289 step %scan3A_290 iter_args(%scan3A_449 = %scan3A_286) -> (i32)  : i32 {
        %mul3A_450 = arith.constant 2 : i32
        %mul3A_451 = arith.muli %mul3A_450, %scan3A_448 : i32
        %add3A_452 = arith.constant 2 : i32
        %add3A_453 = arith.addi %mul3A_451, %add3A_452 : i32
        %add3A_454 = arith.constant 0 : i32
        %add3A_455 = arith.addi %add3A_453, %add3A_454 : i32
        %sub3A = arith.constant 2 : i32
        %sub3A_456 = arith.subi %add3A_455, %sub3A : i32
        %dma_wait3A_457 = arith.constant 0 : i32
        %dma_wait3A_458 = tpu.memref_slice %arg10[%sub3A_456, %dma_wait3A_457] : memref<25x80xi32, #tpu.memory_space<vmem>> -> memref<1x80xi32, #tpu.memory_space<vmem>>
        %dma_wait3A_459 = tpu.memref_squeeze %dma_wait3A_458 : memref<1x80xi32, #tpu.memory_space<vmem>> -> memref<80xi32, #tpu.memory_space<vmem>>
        %dma_wait3A_460 = arith.constant 0 : i32
        %dma_wait3A_461 = arith.constant 0 : i32
        %dma_wait3A_462 = tpu.memref_slice %arg6[%dma_wait3A_460, %dma_wait3A_461] : memref<625x128xf32, #tpu.memory_space<vmem_shared>> -> memref<625x128xf32, #tpu.memory_space<vmem_shared>>
        tpu.wait_indirect_dma semaphore(%arg14 : memref<!tpu.dma_semaphore, #tpu.memory_space<semaphore_mem>>) src(%arg12 : memref<80x128xf32, #tpu.memory_space<vmem>>) dst(%dma_wait3A_462 : memref<625x128xf32, #tpu.memory_space<vmem_shared>>)
        %get3A_463 = arith.index_cast %add3A_455 : i32 to index
        %get3A_464 = arith.constant 0 : index
        %get3A_465 = tpu.vector_load %arg8[%get3A_463, %get3A_464] {strides = array<i32>} : memref<25x80xi32, #tpu.memory_space<vmem>>, vector<16xi32>,
        %get3A_466 = arith.index_cast %add3A_455 : i32 to index
        %get3A_467 = arith.constant 0 : index
        %get3A_468 = tpu.vector_load %arg9[%get3A_466, %get3A_467] {strides = array<i32>} : memref<25x80xi32, #tpu.memory_space<vmem>>, vector<16xi32>,
        %mul3A_469 = arith.constant 10000 : i32
        %mul3A_470 = vector.broadcast %mul3A_469 : i32 to vector<16xi32>
        %mul3A_471 = arith.muli %get3A_465, %mul3A_470 : vector<16xi32>
        %add3A_472 = arith.addi %mul3A_471, %get3A_468 : vector<16xi32>
        %shift_right_logical3A_473 = arith.constant 7 : i32
        %shift_right_logical3A_474 = vector.broadcast %shift_right_logical3A_473 : i32 to vector<16xi32>
        %shift_right_logical3A_475 = arith.shrui %add3A_472, %shift_right_logical3A_474 : vector<16xi32>
        %swap3A_476 = arith.index_cast %add3A_455 : i32 to index
        %swap3A_477 = arith.constant 0 : index
        %swap3A_478 = tpu.vector_load %arg10[%swap3A_476, %swap3A_477] {strides = array<i32>} : memref<25x80xi32, #tpu.memory_space<vmem>>, vector<16xi32>,
        tpu.vector_store %arg10[%swap3A_476, %swap3A_477], %shift_right_logical3A_475 {strides = array<i32>} : memref<25x80xi32, #tpu.memory_space<vmem>>, vector<16xi32>,
        %and3A_479 = arith.constant 127 : i32
        %and3A_480 = vector.broadcast %and3A_479 : i32 to vector<16xi32>
        %and3A_481 = arith.andi %add3A_472, %and3A_480 : vector<16xi32>
        %swap3A_482 = arith.constant 0 : index
        %swap3A_483 = tpu.vector_load %arg11[%swap3A_482] {strides = array<i32>} : memref<80xi32, #tpu.memory_space<vmem>>, vector<16xi32>,
        tpu.vector_store %arg11[%swap3A_482], %and3A_481 {strides = array<i32>} : memref<80xi32, #tpu.memory_space<vmem>>, vector<16xi32>,
        %get3A_484 = arith.index_cast %add3A_455 : i32 to index
        %get3A_485 = arith.constant 16 : index
        %get3A_486 = tpu.vector_load %arg8[%get3A_484, %get3A_485] {strides = array<i32>} : memref<25x80xi32, #tpu.memory_space<vmem>>, vector<16xi32>,
        %get3A_487 = arith.index_cast %add3A_455 : i32 to index
        %get3A_488 = arith.constant 16 : index
        %get3A_489 = tpu.vector_load %arg9[%get3A_487, %get3A_488] {strides = array<i32>} : memref<25x80xi32, #tpu.memory_space<vmem>>, vector<16xi32>,
        %mul3A_490 = arith.constant 10000 : i32
        %mul3A_491 = vector.broadcast %mul3A_490 : i32 to vector<16xi32>
        %mul3A_492 = arith.muli %get3A_486, %mul3A_491 : vector<16xi32>
        %add3A_493 = arith.addi %mul3A_492, %get3A_489 : vector<16xi32>
        %shift_right_logical3A_494 = arith.constant 7 : i32
        %shift_right_logical3A_495 = vector.broadcast %shift_right_logical3A_494 : i32 to vector<16xi32>
        %shift_right_logical3A_496 = arith.shrui %add3A_493, %shift_right_logical3A_495 : vector<16xi32>
        %swap3A_497 = arith.index_cast %add3A_455 : i32 to index
        %swap3A_498 = arith.constant 16 : index
        %swap3A_499 = tpu.vector_load %arg10[%swap3A_497, %swap3A_498] {strides = array<i32>} : memref<25x80xi32, #tpu.memory_space<vmem>>, vector<16xi32>,
        tpu.vector_store %arg10[%swap3A_497, %swap3A_498], %shift_right_logical3A_496 {strides = array<i32>} : memref<25x80xi32, #tpu.memory_space<vmem>>, vector<16xi32>,
        %and3A_500 = arith.constant 127 : i32
        %and3A_501 = vector.broadcast %and3A_500 : i32 to vector<16xi32>
        %and3A_502 = arith.andi %add3A_493, %and3A_501 : vector<16xi32>
        %swap3A_503 = arith.constant 16 : index
        %swap3A_504 = tpu.vector_load %arg11[%swap3A_503] {strides = array<i32>} : memref<80xi32, #tpu.memory_space<vmem>>, vector<16xi32>,
        tpu.vector_store %arg11[%swap3A_503], %and3A_502 {strides = array<i32>} : memref<80xi32, #tpu.memory_space<vmem>>, vector<16xi32>,
        %get3A_505 = arith.index_cast %add3A_455 : i32 to index
        %get3A_506 = arith.constant 32 : index
        %get3A_507 = tpu.vector_load %arg8[%get3A_505, %get3A_506] {strides = array<i32>} : memref<25x80xi32, #tpu.memory_space<vmem>>, vector<16xi32>,
        %get3A_508 = arith.index_cast %add3A_455 : i32 to index
        %get3A_509 = arith.constant 32 : index
        %get3A_510 = tpu.vector_load %arg9[%get3A_508, %get3A_509] {strides = array<i32>} : memref<25x80xi32, #tpu.memory_space<vmem>>, vector<16xi32>,
        %mul3A_511 = arith.constant 10000 : i32
        %mul3A_512 = vector.broadcast %mul3A_511 : i32 to vector<16xi32>
        %mul3A_513 = arith.muli %get3A_507, %mul3A_512 : vector<16xi32>
        %add3A_514 = arith.addi %mul3A_513, %get3A_510 : vector<16xi32>
        %shift_right_logical3A_515 = arith.constant 7 : i32
        %shift_right_logical3A_516 = vector.broadcast %shift_right_logical3A_515 : i32 to vector<16xi32>
        %shift_right_logical3A_517 = arith.shrui %add3A_514, %shift_right_logical3A_516 : vector<16xi32>
        %swap3A_518 = arith.index_cast %add3A_455 : i32 to index
        %swap3A_519 = arith.constant 32 : index
        %swap3A_520 = tpu.vector_load %arg10[%swap3A_518, %swap3A_519] {strides = array<i32>} : memref<25x80xi32, #tpu.memory_space<vmem>>, vector<16xi32>,
        tpu.vector_store %arg10[%swap3A_518, %swap3A_519], %shift_right_logical3A_517 {strides = array<i32>} : memref<25x80xi32, #tpu.memory_space<vmem>>, vector<16xi32>,
        %and3A_521 = arith.constant 127 : i32
        %and3A_522 = vector.broadcast %and3A_521 : i32 to vector<16xi32>
        %and3A_523 = arith.andi %add3A_514, %and3A_522 : vector<16xi32>
        %swap3A_524 = arith.constant 32 : index
        %swap3A_525 = tpu.vector_load %arg11[%swap3A_524] {strides = array<i32>} : memref<80xi32, #tpu.memory_space<vmem>>, vector<16xi32>,
        tpu.vector_store %arg11[%swap3A_524], %and3A_523 {strides = array<i32>} : memref<80xi32, #tpu.memory_space<vmem>>, vector<16xi32>,
        %get3A_526 = arith.index_cast %add3A_455 : i32 to index
        %get3A_527 = arith.constant 48 : index
        %get3A_528 = tpu.vector_load %arg8[%get3A_526, %get3A_527] {strides = array<i32>} : memref<25x80xi32, #tpu.memory_space<vmem>>, vector<16xi32>,
        %get3A_529 = arith.index_cast %add3A_455 : i32 to index
        %get3A_530 = arith.constant 48 : index
        %get3A_531 = tpu.vector_load %arg9[%get3A_529, %get3A_530] {strides = array<i32>} : memref<25x80xi32, #tpu.memory_space<vmem>>, vector<16xi32>,
        %mul3A_532 = arith.constant 10000 : i32
        %mul3A_533 = vector.broadcast %mul3A_532 : i32 to vector<16xi32>
        %mul3A_534 = arith.muli %get3A_528, %mul3A_533 : vector<16xi32>
        %add3A_535 = arith.addi %mul3A_534, %get3A_531 : vector<16xi32>
        %shift_right_logical3A_536 = arith.constant 7 : i32
        %shift_right_logical3A_537 = vector.broadcast %shift_right_logical3A_536 : i32 to vector<16xi32>
        %shift_right_logical3A_538 = arith.shrui %add3A_535, %shift_right_logical3A_537 : vector<16xi32>
        %swap3A_539 = arith.index_cast %add3A_455 : i32 to index
        %swap3A_540 = arith.constant 48 : index
        %swap3A_541 = tpu.vector_load %arg10[%swap3A_539, %swap3A_540] {strides = array<i32>} : memref<25x80xi32, #tpu.memory_space<vmem>>, vector<16xi32>,
        tpu.vector_store %arg10[%swap3A_539, %swap3A_540], %shift_right_logical3A_538 {strides = array<i32>} : memref<25x80xi32, #tpu.memory_space<vmem>>, vector<16xi32>,
        %and3A_542 = arith.constant 127 : i32
        %and3A_543 = vector.broadcast %and3A_542 : i32 to vector<16xi32>
        %and3A_544 = arith.andi %add3A_535, %and3A_543 : vector<16xi32>
        %swap3A_545 = arith.constant 48 : index
        %swap3A_546 = tpu.vector_load %arg11[%swap3A_545] {strides = array<i32>} : memref<80xi32, #tpu.memory_space<vmem>>, vector<16xi32>,
        tpu.vector_store %arg11[%swap3A_545], %and3A_544 {strides = array<i32>} : memref<80xi32, #tpu.memory_space<vmem>>, vector<16xi32>,
        %get3A_547 = arith.index_cast %add3A_455 : i32 to index
        %get3A_548 = arith.constant 64 : index
        %get3A_549 = tpu.vector_load %arg8[%get3A_547, %get3A_548] {strides = array<i32>} : memref<25x80xi32, #tpu.memory_space<vmem>>, vector<16xi32>,
        %get3A_550 = arith.index_cast %add3A_455 : i32 to index
        %get3A_551 = arith.constant 64 : index
        %get3A_552 = tpu.vector_load %arg9[%get3A_550, %get3A_551] {strides = array<i32>} : memref<25x80xi32, #tpu.memory_space<vmem>>, vector<16xi32>,
        %mul3A_553 = arith.constant 10000 : i32
        %mul3A_554 = vector.broadcast %mul3A_553 : i32 to vector<16xi32>
        %mul3A_555 = arith.muli %get3A_549, %mul3A_554 : vector<16xi32>
        %add3A_556 = arith.addi %mul3A_555, %get3A_552 : vector<16xi32>
        %shift_right_logical3A_557 = arith.constant 7 : i32
        %shift_right_logical3A_558 = vector.broadcast %shift_right_logical3A_557 : i32 to vector<16xi32>
        %shift_right_logical3A_559 = arith.shrui %add3A_556, %shift_right_logical3A_558 : vector<16xi32>
        %swap3A_560 = arith.index_cast %add3A_455 : i32 to index
        %swap3A_561 = arith.constant 64 : index
        %swap3A_562 = tpu.vector_load %arg10[%swap3A_560, %swap3A_561] {strides = array<i32>} : memref<25x80xi32, #tpu.memory_space<vmem>>, vector<16xi32>,
        tpu.vector_store %arg10[%swap3A_560, %swap3A_561], %shift_right_logical3A_559 {strides = array<i32>} : memref<25x80xi32, #tpu.memory_space<vmem>>, vector<16xi32>,
        %and3A_563 = arith.constant 127 : i32
        %and3A_564 = vector.broadcast %and3A_563 : i32 to vector<16xi32>
        %and3A_565 = arith.andi %add3A_556, %and3A_564 : vector<16xi32>
        %swap3A_566 = arith.constant 64 : index
        %swap3A_567 = tpu.vector_load %arg11[%swap3A_566] {strides = array<i32>} : memref<80xi32, #tpu.memory_space<vmem>>, vector<16xi32>,
        tpu.vector_store %arg11[%swap3A_566], %and3A_565 {strides = array<i32>} : memref<80xi32, #tpu.memory_space<vmem>>, vector<16xi32>,
        %scan3A_568 = arith.constant 0 : i32
        %scan3A_569 = arith.constant 0 : i32
        %scan3A_570 = arith.constant 80 : i32
        %scan3A_571 = arith.addi %scan3A_569, %scan3A_570 : i32
        %scan3A_572 = arith.constant 1 : i32
        %scan3A_573 = scf.for %scan3A_714 = %scan3A_569 to %scan3A_571 step %scan3A_572 iter_args(%scan3A_715 = %scan3A_568) -> (i32)  : i32 {
          %broadcast_in_dim3A_716 = vector.broadcast %scan3A_714 : i32 to vector<16xi32>
          %gather3A = tpu.vector_load_idx %arg11[%broadcast_in_dim3A_716] : memref<80xi32, #tpu.memory_space<vmem>>[vector<16xi32>], vector<16xi32>,
          %add3A_717 = arith.constant 0 : i32
          %add3A_718 = vector.broadcast %add3A_717 : i32 to vector<16xi32>
          %add3A_719 = arith.addi %iota3A, %add3A_718 : vector<16xi32>
          %eq3A_720 = arith.cmpi eq, %add3A_719, %gather3A : vector<16xi32>
          %jit3A = arith.constant 1.000000e+00 : f32
          %jit3A_721 = arith.constant 0.000000e+00 : f32
          %broadcast_in_dim3A_722 = vector.broadcast %jit3A : f32 to vector<16xf32>
          %broadcast_in_dim3A_723 = vector.broadcast %jit3A_721 : f32 to vector<16xf32>
          %select_n3A = arith.select %eq3A_720, %broadcast_in_dim3A_722, %broadcast_in_dim3A_723 : vector<16xi1>, vector<16xf32>
          %swap3A_724 = arith.index_cast %scan3A_714 : i32 to index
          %swap3A_725 = arith.constant 0 : index
          %swap3A_726 = tpu.vector_load %arg12[%swap3A_724, %swap3A_725] {strides = array<i32>} : memref<80x128xf32, #tpu.memory_space<vmem>>, vector<16xf32>,
          tpu.vector_store %arg12[%swap3A_724, %swap3A_725], %select_n3A {strides = array<i32>} : memref<80x128xf32, #tpu.memory_space<vmem>>, vector<16xf32>,
          %add3A_727 = arith.constant 16 : i32
          %add3A_728 = vector.broadcast %add3A_727 : i32 to vector<16xi32>
          %add3A_729 = arith.addi %iota3A, %add3A_728 : vector<16xi32>
          %eq3A_730 = arith.cmpi eq, %add3A_729, %gather3A : vector<16xi32>
          %jit3A_731 = arith.constant 1.000000e+00 : f32
          %jit3A_732 = arith.constant 0.000000e+00 : f32
          %broadcast_in_dim3A_733 = vector.broadcast %jit3A_731 : f32 to vector<16xf32>
          %broadcast_in_dim3A_734 = vector.broadcast %jit3A_732 : f32 to vector<16xf32>
          %select_n3A_735 = arith.select %eq3A_730, %broadcast_in_dim3A_733, %broadcast_in_dim3A_734 : vector<16xi1>, vector<16xf32>
          %swap3A_736 = arith.index_cast %scan3A_714 : i32 to index
          %swap3A_737 = arith.constant 16 : index
          %swap3A_738 = tpu.vector_load %arg12[%swap3A_736, %swap3A_737] {strides = array<i32>} : memref<80x128xf32, #tpu.memory_space<vmem>>, vector<16xf32>,
          tpu.vector_store %arg12[%swap3A_736, %swap3A_737], %select_n3A_735 {strides = array<i32>} : memref<80x128xf32, #tpu.memory_space<vmem>>, vector<16xf32>,
          %add3A_739 = arith.constant 32 : i32
          %add3A_740 = vector.broadcast %add3A_739 : i32 to vector<16xi32>
          %add3A_741 = arith.addi %iota3A, %add3A_740 : vector<16xi32>
          %eq3A_742 = arith.cmpi eq, %add3A_741, %gather3A : vector<16xi32>
          %jit3A_743 = arith.constant 1.000000e+00 : f32
          %jit3A_744 = arith.constant 0.000000e+00 : f32
          %broadcast_in_dim3A_745 = vector.broadcast %jit3A_743 : f32 to vector<16xf32>
          %broadcast_in_dim3A_746 = vector.broadcast %jit3A_744 : f32 to vector<16xf32>
          %select_n3A_747 = arith.select %eq3A_742, %broadcast_in_dim3A_745, %broadcast_in_dim3A_746 : vector<16xi1>, vector<16xf32>
          %swap3A_748 = arith.index_cast %scan3A_714 : i32 to index
          %swap3A_749 = arith.constant 32 : index
          %swap3A_750 = tpu.vector_load %arg12[%swap3A_748, %swap3A_749] {strides = array<i32>} : memref<80x128xf32, #tpu.memory_space<vmem>>, vector<16xf32>,
          tpu.vector_store %arg12[%swap3A_748, %swap3A_749], %select_n3A_747 {strides = array<i32>} : memref<80x128xf32, #tpu.memory_space<vmem>>, vector<16xf32>,
          %add3A_751 = arith.constant 48 : i32
          %add3A_752 = vector.broadcast %add3A_751 : i32 to vector<16xi32>
          %add3A_753 = arith.addi %iota3A, %add3A_752 : vector<16xi32>
          %eq3A_754 = arith.cmpi eq, %add3A_753, %gather3A : vector<16xi32>
          %jit3A_755 = arith.constant 1.000000e+00 : f32
          %jit3A_756 = arith.constant 0.000000e+00 : f32
          %broadcast_in_dim3A_757 = vector.broadcast %jit3A_755 : f32 to vector<16xf32>
          %broadcast_in_dim3A_758 = vector.broadcast %jit3A_756 : f32 to vector<16xf32>
          %select_n3A_759 = arith.select %eq3A_754, %broadcast_in_dim3A_757, %broadcast_in_dim3A_758 : vector<16xi1>, vector<16xf32>
          %swap3A_760 = arith.index_cast %scan3A_714 : i32 to index
          %swap3A_761 = arith.constant 48 : index
          %swap3A_762 = tpu.vector_load %arg12[%swap3A_760, %swap3A_761] {strides = array<i32>} : memref<80x128xf32, #tpu.memory_space<vmem>>, vector<16xf32>,
          tpu.vector_store %arg12[%swap3A_760, %swap3A_761], %select_n3A_759 {strides = array<i32>} : memref<80x128xf32, #tpu.memory_space<vmem>>, vector<16xf32>,
          %add3A_763 = arith.constant 64 : i32
          %add3A_764 = vector.broadcast %add3A_763 : i32 to vector<16xi32>
          %add3A_765 = arith.addi %iota3A, %add3A_764 : vector<16xi32>
          %eq3A_766 = arith.cmpi eq, %add3A_765, %gather3A : vector<16xi32>
          %jit3A_767 = arith.constant 1.000000e+00 : f32
          %jit3A_768 = arith.constant 0.000000e+00 : f32
          %broadcast_in_dim3A_769 = vector.broadcast %jit3A_767 : f32 to vector<16xf32>
          %broadcast_in_dim3A_770 = vector.broadcast %jit3A_768 : f32 to vector<16xf32>
          %select_n3A_771 = arith.select %eq3A_766, %broadcast_in_dim3A_769, %broadcast_in_dim3A_770 : vector<16xi1>, vector<16xf32>
          %swap3A_772 = arith.index_cast %scan3A_714 : i32 to index
          %swap3A_773 = arith.constant 64 : index
          %swap3A_774 = tpu.vector_load %arg12[%swap3A_772, %swap3A_773] {strides = array<i32>} : memref<80x128xf32, #tpu.memory_space<vmem>>, vector<16xf32>,
          tpu.vector_store %arg12[%swap3A_772, %swap3A_773], %select_n3A_771 {strides = array<i32>} : memref<80x128xf32, #tpu.memory_space<vmem>>, vector<16xf32>,
          %add3A_775 = arith.constant 80 : i32
          %add3A_776 = vector.broadcast %add3A_775 : i32 to vector<16xi32>
          %add3A_777 = arith.addi %iota3A, %add3A_776 : vector<16xi32>
          %eq3A_778 = arith.cmpi eq, %add3A_777, %gather3A : vector<16xi32>
          %jit3A_779 = arith.constant 1.000000e+00 : f32
          %jit3A_780 = arith.constant 0.000000e+00 : f32
          %broadcast_in_dim3A_781 = vector.broadcast %jit3A_779 : f32 to vector<16xf32>
          %broadcast_in_dim3A_782 = vector.broadcast %jit3A_780 : f32 to vector<16xf32>
          %select_n3A_783 = arith.select %eq3A_778, %broadcast_in_dim3A_781, %broadcast_in_dim3A_782 : vector<16xi1>, vector<16xf32>
          %swap3A_784 = arith.index_cast %scan3A_714 : i32 to index
          %swap3A_785 = arith.constant 80 : index
          %swap3A_786 = tpu.vector_load %arg12[%swap3A_784, %swap3A_785] {strides = array<i32>} : memref<80x128xf32, #tpu.memory_space<vmem>>, vector<16xf32>,
          tpu.vector_store %arg12[%swap3A_784, %swap3A_785], %select_n3A_783 {strides = array<i32>} : memref<80x128xf32, #tpu.memory_space<vmem>>, vector<16xf32>,
          %add3A_787 = arith.constant 96 : i32
          %add3A_788 = vector.broadcast %add3A_787 : i32 to vector<16xi32>
          %add3A_789 = arith.addi %iota3A, %add3A_788 : vector<16xi32>
          %eq3A_790 = arith.cmpi eq, %add3A_789, %gather3A : vector<16xi32>
          %jit3A_791 = arith.constant 1.000000e+00 : f32
          %jit3A_792 = arith.constant 0.000000e+00 : f32
          %broadcast_in_dim3A_793 = vector.broadcast %jit3A_791 : f32 to vector<16xf32>
          %broadcast_in_dim3A_794 = vector.broadcast %jit3A_792 : f32 to vector<16xf32>
          %select_n3A_795 = arith.select %eq3A_790, %broadcast_in_dim3A_793, %broadcast_in_dim3A_794 : vector<16xi1>, vector<16xf32>
          %swap3A_796 = arith.index_cast %scan3A_714 : i32 to index
          %swap3A_797 = arith.constant 96 : index
          %swap3A_798 = tpu.vector_load %arg12[%swap3A_796, %swap3A_797] {strides = array<i32>} : memref<80x128xf32, #tpu.memory_space<vmem>>, vector<16xf32>,
          tpu.vector_store %arg12[%swap3A_796, %swap3A_797], %select_n3A_795 {strides = array<i32>} : memref<80x128xf32, #tpu.memory_space<vmem>>, vector<16xf32>,
          %add3A_799 = arith.constant 112 : i32
          %add3A_800 = vector.broadcast %add3A_799 : i32 to vector<16xi32>
          %add3A_801 = arith.addi %iota3A, %add3A_800 : vector<16xi32>
          %eq3A_802 = arith.cmpi eq, %add3A_801, %gather3A : vector<16xi32>
          %jit3A_803 = arith.constant 1.000000e+00 : f32
          %jit3A_804 = arith.constant 0.000000e+00 : f32
          %broadcast_in_dim3A_805 = vector.broadcast %jit3A_803 : f32 to vector<16xf32>
          %broadcast_in_dim3A_806 = vector.broadcast %jit3A_804 : f32 to vector<16xf32>
          %select_n3A_807 = arith.select %eq3A_802, %broadcast_in_dim3A_805, %broadcast_in_dim3A_806 : vector<16xi1>, vector<16xf32>
          %swap3A_808 = arith.index_cast %scan3A_714 : i32 to index
          %swap3A_809 = arith.constant 112 : index
          %swap3A_810 = tpu.vector_load %arg12[%swap3A_808, %swap3A_809] {strides = array<i32>} : memref<80x128xf32, #tpu.memory_space<vmem>>, vector<16xf32>,
          tpu.vector_store %arg12[%swap3A_808, %swap3A_809], %select_n3A_807 {strides = array<i32>} : memref<80x128xf32, #tpu.memory_space<vmem>>, vector<16xf32>,
          %scan3A_811 = arith.constant 0 : i32
          scf.yield %scan3A_811 : i32
        }
        %scan3A_574 = arith.constant 80 : i32
        %dma_start3A_575 = arith.constant 0 : i32
        %dma_start3A_576 = tpu.memref_slice %arg10[%add3A_455, %dma_start3A_575] : memref<25x80xi32, #tpu.memory_space<vmem>> -> memref<1x80xi32, #tpu.memory_space<vmem>>
        %dma_start3A_577 = tpu.memref_squeeze %dma_start3A_576 : memref<1x80xi32, #tpu.memory_space<vmem>> -> memref<80xi32, #tpu.memory_space<vmem>>
        %dma_start3A_578 = arith.constant 0 : i32
        %dma_start3A_579 = arith.constant 0 : i32
        %dma_start3A_580 = tpu.memref_slice %arg6[%dma_start3A_578, %dma_start3A_579] : memref<625x128xf32, #tpu.memory_space<vmem_shared>> -> memref<625x128xf32, #tpu.memory_space<vmem_shared>>
        tpu.enqueue_indirect_dma source(%arg12 : memref<80x128xf32, #tpu.memory_space<vmem>>) target(%dma_start3A_580 : memref<625x128xf32, #tpu.memory_space<vmem_shared>>) offsets(%dma_start3A_577 : memref<80xi32, #tpu.memory_space<vmem>>) semaphore(%arg14 : memref<!tpu.dma_semaphore, #tpu.memory_space<semaphore_mem>>) {add = true}
        %mul3A_581 = arith.constant 2 : i32
        %mul3A_582 = arith.muli %mul3A_581, %scan3A_448 : i32
        %add3A_583 = arith.constant 2 : i32
        %add3A_584 = arith.addi %mul3A_582, %add3A_583 : i32
        %add3A_585 = arith.constant 1 : i32
        %add3A_586 = arith.addi %add3A_584, %add3A_585 : i32
        %sub3A_587 = arith.constant 2 : i32
        %sub3A_588 = arith.subi %add3A_586, %sub3A_587 : i32
        %dma_wait3A_589 = arith.constant 0 : i32
        %dma_wait3A_590 = tpu.memref_slice %arg10[%sub3A_588, %dma_wait3A_589] : memref<25x80xi32, #tpu.memory_space<vmem>> -> memref<1x80xi32, #tpu.memory_space<vmem>>
        %dma_wait3A_591 = tpu.memref_squeeze %dma_wait3A_590 : memref<1x80xi32, #tpu.memory_space<vmem>> -> memref<80xi32, #tpu.memory_space<vmem>>
        %dma_wait3A_592 = arith.constant 0 : i32
        %dma_wait3A_593 = arith.constant 0 : i32
        %dma_wait3A_594 = tpu.memref_slice %arg6[%dma_wait3A_592, %dma_wait3A_593] : memref<625x128xf32, #tpu.memory_space<vmem_shared>> -> memref<625x128xf32, #tpu.memory_space<vmem_shared>>
        tpu.wait_indirect_dma semaphore(%arg15 : memref<!tpu.dma_semaphore, #tpu.memory_space<semaphore_mem>>) src(%arg13 : memref<80x128xf32, #tpu.memory_space<vmem>>) dst(%dma_wait3A_594 : memref<625x128xf32, #tpu.memory_space<vmem_shared>>)
        %get3A_595 = arith.index_cast %add3A_586 : i32 to index
        %get3A_596 = arith.constant 0 : index
        %get3A_597 = tpu.vector_load %arg8[%get3A_595, %get3A_596] {strides = array<i32>} : memref<25x80xi32, #tpu.memory_space<vmem>>, vector<16xi32>,
        %get3A_598 = arith.index_cast %add3A_586 : i32 to index
        %get3A_599 = arith.constant 0 : index
        %get3A_600 = tpu.vector_load %arg9[%get3A_598, %get3A_599] {strides = array<i32>} : memref<25x80xi32, #tpu.memory_space<vmem>>, vector<16xi32>,
        %mul3A_601 = arith.constant 10000 : i32
        %mul3A_602 = vector.broadcast %mul3A_601 : i32 to vector<16xi32>
        %mul3A_603 = arith.muli %get3A_597, %mul3A_602 : vector<16xi32>
        %add3A_604 = arith.addi %mul3A_603, %get3A_600 : vector<16xi32>
        %shift_right_logical3A_605 = arith.constant 7 : i32
        %shift_right_logical3A_606 = vector.broadcast %shift_right_logical3A_605 : i32 to vector<16xi32>
        %shift_right_logical3A_607 = arith.shrui %add3A_604, %shift_right_logical3A_606 : vector<16xi32>
        %swap3A_608 = arith.index_cast %add3A_586 : i32 to index
        %swap3A_609 = arith.constant 0 : index
        %swap3A_610 = tpu.vector_load %arg10[%swap3A_608, %swap3A_609] {strides = array<i32>} : memref<25x80xi32, #tpu.memory_space<vmem>>, vector<16xi32>,
        tpu.vector_store %arg10[%swap3A_608, %swap3A_609], %shift_right_logical3A_607 {strides = array<i32>} : memref<25x80xi32, #tpu.memory_space<vmem>>, vector<16xi32>,
        %and3A_611 = arith.constant 127 : i32
        %and3A_612 = vector.broadcast %and3A_611 : i32 to vector<16xi32>
        %and3A_613 = arith.andi %add3A_604, %and3A_612 : vector<16xi32>
        %swap3A_614 = arith.constant 0 : index
        %swap3A_615 = tpu.vector_load %arg11[%swap3A_614] {strides = array<i32>} : memref<80xi32, #tpu.memory_space<vmem>>, vector<16xi32>,
        tpu.vector_store %arg11[%swap3A_614], %and3A_613 {strides = array<i32>} : memref<80xi32, #tpu.memory_space<vmem>>, vector<16xi32>,
        %get3A_616 = arith.index_cast %add3A_586 : i32 to index
        %get3A_617 = arith.constant 16 : index
        %get3A_618 = tpu.vector_load %arg8[%get3A_616, %get3A_617] {strides = array<i32>} : memref<25x80xi32, #tpu.memory_space<vmem>>, vector<16xi32>,
        %get3A_619 = arith.index_cast %add3A_586 : i32 to index
        %get3A_620 = arith.constant 16 : index
        %get3A_621 = tpu.vector_load %arg9[%get3A_619, %get3A_620] {strides = array<i32>} : memref<25x80xi32, #tpu.memory_space<vmem>>, vector<16xi32>,
        %mul3A_622 = arith.constant 10000 : i32
        %mul3A_623 = vector.broadcast %mul3A_622 : i32 to vector<16xi32>
        %mul3A_624 = arith.muli %get3A_618, %mul3A_623 : vector<16xi32>
        %add3A_625 = arith.addi %mul3A_624, %get3A_621 : vector<16xi32>
        %shift_right_logical3A_626 = arith.constant 7 : i32
        %shift_right_logical3A_627 = vector.broadcast %shift_right_logical3A_626 : i32 to vector<16xi32>
        %shift_right_logical3A_628 = arith.shrui %add3A_625, %shift_right_logical3A_627 : vector<16xi32>
        %swap3A_629 = arith.index_cast %add3A_586 : i32 to index
        %swap3A_630 = arith.constant 16 : index
        %swap3A_631 = tpu.vector_load %arg10[%swap3A_629, %swap3A_630] {strides = array<i32>} : memref<25x80xi32, #tpu.memory_space<vmem>>, vector<16xi32>,
        tpu.vector_store %arg10[%swap3A_629, %swap3A_630], %shift_right_logical3A_628 {strides = array<i32>} : memref<25x80xi32, #tpu.memory_space<vmem>>, vector<16xi32>,
        %and3A_632 = arith.constant 127 : i32
        %and3A_633 = vector.broadcast %and3A_632 : i32 to vector<16xi32>
        %and3A_634 = arith.andi %add3A_625, %and3A_633 : vector<16xi32>
        %swap3A_635 = arith.constant 16 : index
        %swap3A_636 = tpu.vector_load %arg11[%swap3A_635] {strides = array<i32>} : memref<80xi32, #tpu.memory_space<vmem>>, vector<16xi32>,
        tpu.vector_store %arg11[%swap3A_635], %and3A_634 {strides = array<i32>} : memref<80xi32, #tpu.memory_space<vmem>>, vector<16xi32>,
        %get3A_637 = arith.index_cast %add3A_586 : i32 to index
        %get3A_638 = arith.constant 32 : index
        %get3A_639 = tpu.vector_load %arg8[%get3A_637, %get3A_638] {strides = array<i32>} : memref<25x80xi32, #tpu.memory_space<vmem>>, vector<16xi32>,
        %get3A_640 = arith.index_cast %add3A_586 : i32 to index
        %get3A_641 = arith.constant 32 : index
        %get3A_642 = tpu.vector_load %arg9[%get3A_640, %get3A_641] {strides = array<i32>} : memref<25x80xi32, #tpu.memory_space<vmem>>, vector<16xi32>,
        %mul3A_643 = arith.constant 10000 : i32
        %mul3A_644 = vector.broadcast %mul3A_643 : i32 to vector<16xi32>
        %mul3A_645 = arith.muli %get3A_639, %mul3A_644 : vector<16xi32>
        %add3A_646 = arith.addi %mul3A_645, %get3A_642 : vector<16xi32>
        %shift_right_logical3A_647 = arith.constant 7 : i32
        %shift_right_logical3A_648 = vector.broadcast %shift_right_logical3A_647 : i32 to vector<16xi32>
        %shift_right_logical3A_649 = arith.shrui %add3A_646, %shift_right_logical3A_648 : vector<16xi32>
        %swap3A_650 = arith.index_cast %add3A_586 : i32 to index
        %swap3A_651 = arith.constant 32 : index
        %swap3A_652 = tpu.vector_load %arg10[%swap3A_650, %swap3A_651] {strides = array<i32>} : memref<25x80xi32, #tpu.memory_space<vmem>>, vector<16xi32>,
        tpu.vector_store %arg10[%swap3A_650, %swap3A_651], %shift_right_logical3A_649 {strides = array<i32>} : memref<25x80xi32, #tpu.memory_space<vmem>>, vector<16xi32>,
        %and3A_653 = arith.constant 127 : i32
        %and3A_654 = vector.broadcast %and3A_653 : i32 to vector<16xi32>
        %and3A_655 = arith.andi %add3A_646, %and3A_654 : vector<16xi32>
        %swap3A_656 = arith.constant 32 : index
        %swap3A_657 = tpu.vector_load %arg11[%swap3A_656] {strides = array<i32>} : memref<80xi32, #tpu.memory_space<vmem>>, vector<16xi32>,
        tpu.vector_store %arg11[%swap3A_656], %and3A_655 {strides = array<i32>} : memref<80xi32, #tpu.memory_space<vmem>>, vector<16xi32>,
        %get3A_658 = arith.index_cast %add3A_586 : i32 to index
        %get3A_659 = arith.constant 48 : index
        %get3A_660 = tpu.vector_load %arg8[%get3A_658, %get3A_659] {strides = array<i32>} : memref<25x80xi32, #tpu.memory_space<vmem>>, vector<16xi32>,
        %get3A_661 = arith.index_cast %add3A_586 : i32 to index
        %get3A_662 = arith.constant 48 : index
        %get3A_663 = tpu.vector_load %arg9[%get3A_661, %get3A_662] {strides = array<i32>} : memref<25x80xi32, #tpu.memory_space<vmem>>, vector<16xi32>,
        %mul3A_664 = arith.constant 10000 : i32
        %mul3A_665 = vector.broadcast %mul3A_664 : i32 to vector<16xi32>
        %mul3A_666 = arith.muli %get3A_660, %mul3A_665 : vector<16xi32>
        %add3A_667 = arith.addi %mul3A_666, %get3A_663 : vector<16xi32>
        %shift_right_logical3A_668 = arith.constant 7 : i32
        %shift_right_logical3A_669 = vector.broadcast %shift_right_logical3A_668 : i32 to vector<16xi32>
        %shift_right_logical3A_670 = arith.shrui %add3A_667, %shift_right_logical3A_669 : vector<16xi32>
        %swap3A_671 = arith.index_cast %add3A_586 : i32 to index
        %swap3A_672 = arith.constant 48 : index
        %swap3A_673 = tpu.vector_load %arg10[%swap3A_671, %swap3A_672] {strides = array<i32>} : memref<25x80xi32, #tpu.memory_space<vmem>>, vector<16xi32>,
        tpu.vector_store %arg10[%swap3A_671, %swap3A_672], %shift_right_logical3A_670 {strides = array<i32>} : memref<25x80xi32, #tpu.memory_space<vmem>>, vector<16xi32>,
        %and3A_674 = arith.constant 127 : i32
        %and3A_675 = vector.broadcast %and3A_674 : i32 to vector<16xi32>
        %and3A_676 = arith.andi %add3A_667, %and3A_675 : vector<16xi32>
        %swap3A_677 = arith.constant 48 : index
        %swap3A_678 = tpu.vector_load %arg11[%swap3A_677] {strides = array<i32>} : memref<80xi32, #tpu.memory_space<vmem>>, vector<16xi32>,
        tpu.vector_store %arg11[%swap3A_677], %and3A_676 {strides = array<i32>} : memref<80xi32, #tpu.memory_space<vmem>>, vector<16xi32>,
        %get3A_679 = arith.index_cast %add3A_586 : i32 to index
        %get3A_680 = arith.constant 64 : index
        %get3A_681 = tpu.vector_load %arg8[%get3A_679, %get3A_680] {strides = array<i32>} : memref<25x80xi32, #tpu.memory_space<vmem>>, vector<16xi32>,
        %get3A_682 = arith.index_cast %add3A_586 : i32 to index
        %get3A_683 = arith.constant 64 : index
        %get3A_684 = tpu.vector_load %arg9[%get3A_682, %get3A_683] {strides = array<i32>} : memref<25x80xi32, #tpu.memory_space<vmem>>, vector<16xi32>,
        %mul3A_685 = arith.constant 10000 : i32
        %mul3A_686 = vector.broadcast %mul3A_685 : i32 to vector<16xi32>
        %mul3A_687 = arith.muli %get3A_681, %mul3A_686 : vector<16xi32>
        %add3A_688 = arith.addi %mul3A_687, %get3A_684 : vector<16xi32>
        %shift_right_logical3A_689 = arith.constant 7 : i32
        %shift_right_logical3A_690 = vector.broadcast %shift_right_logical3A_689 : i32 to vector<16xi32>
        %shift_right_logical3A_691 = arith.shrui %add3A_688, %shift_right_logical3A_690 : vector<16xi32>
        %swap3A_692 = arith.index_cast %add3A_586 : i32 to index
        %swap3A_693 = arith.constant 64 : index
        %swap3A_694 = tpu.vector_load %arg10[%swap3A_692, %swap3A_693] {strides = array<i32>} : memref<25x80xi32, #tpu.memory_space<vmem>>, vector<16xi32>,
        tpu.vector_store %arg10[%swap3A_692, %swap3A_693], %shift_right_logical3A_691 {strides = array<i32>} : memref<25x80xi32, #tpu.memory_space<vmem>>, vector<16xi32>,
        %and3A_695 = arith.constant 127 : i32
        %and3A_696 = vector.broadcast %and3A_695 : i32 to vector<16xi32>
        %and3A_697 = arith.andi %add3A_688, %and3A_696 : vector<16xi32>
        %swap3A_698 = arith.constant 64 : index
        %swap3A_699 = tpu.vector_load %arg11[%swap3A_698] {strides = array<i32>} : memref<80xi32, #tpu.memory_space<vmem>>, vector<16xi32>,
        tpu.vector_store %arg11[%swap3A_698], %and3A_697 {strides = array<i32>} : memref<80xi32, #tpu.memory_space<vmem>>, vector<16xi32>,
        %scan3A_700 = arith.constant 0 : i32
        %scan3A_701 = arith.constant 0 : i32
        %scan3A_702 = arith.constant 80 : i32
        %scan3A_703 = arith.addi %scan3A_701, %scan3A_702 : i32
        %scan3A_704 = arith.constant 1 : i32
        %scan3A_705 = scf.for %scan3A_714 = %scan3A_701 to %scan3A_703 step %scan3A_704 iter_args(%scan3A_715 = %scan3A_700) -> (i32)  : i32 {
          %broadcast_in_dim3A_716 = vector.broadcast %scan3A_714 : i32 to vector<16xi32>
          %gather3A = tpu.vector_load_idx %arg11[%broadcast_in_dim3A_716] : memref<80xi32, #tpu.memory_space<vmem>>[vector<16xi32>], vector<16xi32>,
          %add3A_717 = arith.constant 0 : i32
          %add3A_718 = vector.broadcast %add3A_717 : i32 to vector<16xi32>
          %add3A_719 = arith.addi %iota3A, %add3A_718 : vector<16xi32>
          %eq3A_720 = arith.cmpi eq, %add3A_719, %gather3A : vector<16xi32>
          %jit3A = arith.constant 1.000000e+00 : f32
          %jit3A_721 = arith.constant 0.000000e+00 : f32
          %broadcast_in_dim3A_722 = vector.broadcast %jit3A : f32 to vector<16xf32>
          %broadcast_in_dim3A_723 = vector.broadcast %jit3A_721 : f32 to vector<16xf32>
          %select_n3A = arith.select %eq3A_720, %broadcast_in_dim3A_722, %broadcast_in_dim3A_723 : vector<16xi1>, vector<16xf32>
          %swap3A_724 = arith.index_cast %scan3A_714 : i32 to index
          %swap3A_725 = arith.constant 0 : index
          %swap3A_726 = tpu.vector_load %arg13[%swap3A_724, %swap3A_725] {strides = array<i32>} : memref<80x128xf32, #tpu.memory_space<vmem>>, vector<16xf32>,
          tpu.vector_store %arg13[%swap3A_724, %swap3A_725], %select_n3A {strides = array<i32>} : memref<80x128xf32, #tpu.memory_space<vmem>>, vector<16xf32>,
          %add3A_727 = arith.constant 16 : i32
          %add3A_728 = vector.broadcast %add3A_727 : i32 to vector<16xi32>
          %add3A_729 = arith.addi %iota3A, %add3A_728 : vector<16xi32>
          %eq3A_730 = arith.cmpi eq, %add3A_729, %gather3A : vector<16xi32>
          %jit3A_731 = arith.constant 1.000000e+00 : f32
          %jit3A_732 = arith.constant 0.000000e+00 : f32
          %broadcast_in_dim3A_733 = vector.broadcast %jit3A_731 : f32 to vector<16xf32>
          %broadcast_in_dim3A_734 = vector.broadcast %jit3A_732 : f32 to vector<16xf32>
          %select_n3A_735 = arith.select %eq3A_730, %broadcast_in_dim3A_733, %broadcast_in_dim3A_734 : vector<16xi1>, vector<16xf32>
          %swap3A_736 = arith.index_cast %scan3A_714 : i32 to index
          %swap3A_737 = arith.constant 16 : index
          %swap3A_738 = tpu.vector_load %arg13[%swap3A_736, %swap3A_737] {strides = array<i32>} : memref<80x128xf32, #tpu.memory_space<vmem>>, vector<16xf32>,
          tpu.vector_store %arg13[%swap3A_736, %swap3A_737], %select_n3A_735 {strides = array<i32>} : memref<80x128xf32, #tpu.memory_space<vmem>>, vector<16xf32>,
          %add3A_739 = arith.constant 32 : i32
          %add3A_740 = vector.broadcast %add3A_739 : i32 to vector<16xi32>
          %add3A_741 = arith.addi %iota3A, %add3A_740 : vector<16xi32>
          %eq3A_742 = arith.cmpi eq, %add3A_741, %gather3A : vector<16xi32>
          %jit3A_743 = arith.constant 1.000000e+00 : f32
          %jit3A_744 = arith.constant 0.000000e+00 : f32
          %broadcast_in_dim3A_745 = vector.broadcast %jit3A_743 : f32 to vector<16xf32>
          %broadcast_in_dim3A_746 = vector.broadcast %jit3A_744 : f32 to vector<16xf32>
          %select_n3A_747 = arith.select %eq3A_742, %broadcast_in_dim3A_745, %broadcast_in_dim3A_746 : vector<16xi1>, vector<16xf32>
          %swap3A_748 = arith.index_cast %scan3A_714 : i32 to index
          %swap3A_749 = arith.constant 32 : index
          %swap3A_750 = tpu.vector_load %arg13[%swap3A_748, %swap3A_749] {strides = array<i32>} : memref<80x128xf32, #tpu.memory_space<vmem>>, vector<16xf32>,
          tpu.vector_store %arg13[%swap3A_748, %swap3A_749], %select_n3A_747 {strides = array<i32>} : memref<80x128xf32, #tpu.memory_space<vmem>>, vector<16xf32>,
          %add3A_751 = arith.constant 48 : i32
          %add3A_752 = vector.broadcast %add3A_751 : i32 to vector<16xi32>
          %add3A_753 = arith.addi %iota3A, %add3A_752 : vector<16xi32>
          %eq3A_754 = arith.cmpi eq, %add3A_753, %gather3A : vector<16xi32>
          %jit3A_755 = arith.constant 1.000000e+00 : f32
          %jit3A_756 = arith.constant 0.000000e+00 : f32
          %broadcast_in_dim3A_757 = vector.broadcast %jit3A_755 : f32 to vector<16xf32>
          %broadcast_in_dim3A_758 = vector.broadcast %jit3A_756 : f32 to vector<16xf32>
          %select_n3A_759 = arith.select %eq3A_754, %broadcast_in_dim3A_757, %broadcast_in_dim3A_758 : vector<16xi1>, vector<16xf32>
          %swap3A_760 = arith.index_cast %scan3A_714 : i32 to index
          %swap3A_761 = arith.constant 48 : index
          %swap3A_762 = tpu.vector_load %arg13[%swap3A_760, %swap3A_761] {strides = array<i32>} : memref<80x128xf32, #tpu.memory_space<vmem>>, vector<16xf32>,
          tpu.vector_store %arg13[%swap3A_760, %swap3A_761], %select_n3A_759 {strides = array<i32>} : memref<80x128xf32, #tpu.memory_space<vmem>>, vector<16xf32>,
          %add3A_763 = arith.constant 64 : i32
          %add3A_764 = vector.broadcast %add3A_763 : i32 to vector<16xi32>
          %add3A_765 = arith.addi %iota3A, %add3A_764 : vector<16xi32>
          %eq3A_766 = arith.cmpi eq, %add3A_765, %gather3A : vector<16xi32>
          %jit3A_767 = arith.constant 1.000000e+00 : f32
          %jit3A_768 = arith.constant 0.000000e+00 : f32
          %broadcast_in_dim3A_769 = vector.broadcast %jit3A_767 : f32 to vector<16xf32>
          %broadcast_in_dim3A_770 = vector.broadcast %jit3A_768 : f32 to vector<16xf32>
          %select_n3A_771 = arith.select %eq3A_766, %broadcast_in_dim3A_769, %broadcast_in_dim3A_770 : vector<16xi1>, vector<16xf32>
          %swap3A_772 = arith.index_cast %scan3A_714 : i32 to index
          %swap3A_773 = arith.constant 64 : index
          %swap3A_774 = tpu.vector_load %arg13[%swap3A_772, %swap3A_773] {strides = array<i32>} : memref<80x128xf32, #tpu.memory_space<vmem>>, vector<16xf32>,
          tpu.vector_store %arg13[%swap3A_772, %swap3A_773], %select_n3A_771 {strides = array<i32>} : memref<80x128xf32, #tpu.memory_space<vmem>>, vector<16xf32>,
          %add3A_775 = arith.constant 80 : i32
          %add3A_776 = vector.broadcast %add3A_775 : i32 to vector<16xi32>
          %add3A_777 = arith.addi %iota3A, %add3A_776 : vector<16xi32>
          %eq3A_778 = arith.cmpi eq, %add3A_777, %gather3A : vector<16xi32>
          %jit3A_779 = arith.constant 1.000000e+00 : f32
          %jit3A_780 = arith.constant 0.000000e+00 : f32
          %broadcast_in_dim3A_781 = vector.broadcast %jit3A_779 : f32 to vector<16xf32>
          %broadcast_in_dim3A_782 = vector.broadcast %jit3A_780 : f32 to vector<16xf32>
          %select_n3A_783 = arith.select %eq3A_778, %broadcast_in_dim3A_781, %broadcast_in_dim3A_782 : vector<16xi1>, vector<16xf32>
          %swap3A_784 = arith.index_cast %scan3A_714 : i32 to index
          %swap3A_785 = arith.constant 80 : index
          %swap3A_786 = tpu.vector_load %arg13[%swap3A_784, %swap3A_785] {strides = array<i32>} : memref<80x128xf32, #tpu.memory_space<vmem>>, vector<16xf32>,
          tpu.vector_store %arg13[%swap3A_784, %swap3A_785], %select_n3A_783 {strides = array<i32>} : memref<80x128xf32, #tpu.memory_space<vmem>>, vector<16xf32>,
          %add3A_787 = arith.constant 96 : i32
          %add3A_788 = vector.broadcast %add3A_787 : i32 to vector<16xi32>
          %add3A_789 = arith.addi %iota3A, %add3A_788 : vector<16xi32>
          %eq3A_790 = arith.cmpi eq, %add3A_789, %gather3A : vector<16xi32>
          %jit3A_791 = arith.constant 1.000000e+00 : f32
          %jit3A_792 = arith.constant 0.000000e+00 : f32
          %broadcast_in_dim3A_793 = vector.broadcast %jit3A_791 : f32 to vector<16xf32>
          %broadcast_in_dim3A_794 = vector.broadcast %jit3A_792 : f32 to vector<16xf32>
          %select_n3A_795 = arith.select %eq3A_790, %broadcast_in_dim3A_793, %broadcast_in_dim3A_794 : vector<16xi1>, vector<16xf32>
          %swap3A_796 = arith.index_cast %scan3A_714 : i32 to index
          %swap3A_797 = arith.constant 96 : index
          %swap3A_798 = tpu.vector_load %arg13[%swap3A_796, %swap3A_797] {strides = array<i32>} : memref<80x128xf32, #tpu.memory_space<vmem>>, vector<16xf32>,
          tpu.vector_store %arg13[%swap3A_796, %swap3A_797], %select_n3A_795 {strides = array<i32>} : memref<80x128xf32, #tpu.memory_space<vmem>>, vector<16xf32>,
          %add3A_799 = arith.constant 112 : i32
          %add3A_800 = vector.broadcast %add3A_799 : i32 to vector<16xi32>
          %add3A_801 = arith.addi %iota3A, %add3A_800 : vector<16xi32>
          %eq3A_802 = arith.cmpi eq, %add3A_801, %gather3A : vector<16xi32>
          %jit3A_803 = arith.constant 1.000000e+00 : f32
          %jit3A_804 = arith.constant 0.000000e+00 : f32
          %broadcast_in_dim3A_805 = vector.broadcast %jit3A_803 : f32 to vector<16xf32>
          %broadcast_in_dim3A_806 = vector.broadcast %jit3A_804 : f32 to vector<16xf32>
          %select_n3A_807 = arith.select %eq3A_802, %broadcast_in_dim3A_805, %broadcast_in_dim3A_806 : vector<16xi1>, vector<16xf32>
          %swap3A_808 = arith.index_cast %scan3A_714 : i32 to index
          %swap3A_809 = arith.constant 112 : index
          %swap3A_810 = tpu.vector_load %arg13[%swap3A_808, %swap3A_809] {strides = array<i32>} : memref<80x128xf32, #tpu.memory_space<vmem>>, vector<16xf32>,
          tpu.vector_store %arg13[%swap3A_808, %swap3A_809], %select_n3A_807 {strides = array<i32>} : memref<80x128xf32, #tpu.memory_space<vmem>>, vector<16xf32>,
          %scan3A_811 = arith.constant 0 : i32
          scf.yield %scan3A_811 : i32
        }
        %scan3A_706 = arith.constant 80 : i32
        %dma_start3A_707 = arith.constant 0 : i32
        %dma_start3A_708 = tpu.memref_slice %arg10[%add3A_586, %dma_start3A_707] : memref<25x80xi32, #tpu.memory_space<vmem>> -> memref<1x80xi32, #tpu.memory_space<vmem>>
        %dma_start3A_709 = tpu.memref_squeeze %dma_start3A_708 : memref<1x80xi32, #tpu.memory_space<vmem>> -> memref<80xi32, #tpu.memory_space<vmem>>
        %dma_start3A_710 = arith.constant 0 : i32
        %dma_start3A_711 = arith.constant 0 : i32
        %dma_start3A_712 = tpu.memref_slice %arg6[%dma_start3A_710, %dma_start3A_711] : memref<625x128xf32, #tpu.memory_space<vmem_shared>> -> memref<625x128xf32, #tpu.memory_space<vmem_shared>>
        tpu.enqueue_indirect_dma source(%arg13 : memref<80x128xf32, #tpu.memory_space<vmem>>) target(%dma_start3A_712 : memref<625x128xf32, #tpu.memory_space<vmem_shared>>) offsets(%dma_start3A_709 : memref<80xi32, #tpu.memory_space<vmem>>) semaphore(%arg15 : memref<!tpu.dma_semaphore, #tpu.memory_space<semaphore_mem>>) {add = true}
        %scan3A_713 = arith.constant 0 : i32
        scf.yield %scan3A_713 : i32
      }
      %scan3A_292 = arith.constant 11 : i32
      %dma_wait3A = arith.constant 22 : i32
      %dma_wait3A_293 = arith.constant 0 : i32
      %dma_wait3A_294 = tpu.memref_slice %arg10[%dma_wait3A, %dma_wait3A_293] : memref<25x80xi32, #tpu.memory_space<vmem>> -> memref<1x80xi32, #tpu.memory_space<vmem>>
      %dma_wait3A_295 = tpu.memref_squeeze %dma_wait3A_294 : memref<1x80xi32, #tpu.memory_space<vmem>> -> memref<80xi32, #tpu.memory_space<vmem>>
      %dma_wait3A_296 = arith.constant 0 : i32
      %dma_wait3A_297 = arith.constant 0 : i32
      %dma_wait3A_298 = tpu.memref_slice %arg6[%dma_wait3A_296, %dma_wait3A_297] : memref<625x128xf32, #tpu.memory_space<vmem_shared>> -> memref<625x128xf32, #tpu.memory_space<vmem_shared>>
      tpu.wait_indirect_dma semaphore(%arg14 : memref<!tpu.dma_semaphore, #tpu.memory_space<semaphore_mem>>) src(%arg12 : memref<80x128xf32, #tpu.memory_space<vmem>>) dst(%dma_wait3A_298 : memref<625x128xf32, #tpu.memory_space<vmem_shared>>)
      %get3A_299 = arith.constant 24 : i32
      %get3A_300 = arith.index_cast %get3A_299 : i32 to index
      %get3A_301 = arith.constant 0 : index
      %get3A_302 = tpu.vector_load %arg8[%get3A_300, %get3A_301] {strides = array<i32>} : memref<25x80xi32, #tpu.memory_space<vmem>>, vector<16xi32>,
      %get3A_303 = arith.constant 24 : i32
      %get3A_304 = arith.index_cast %get3A_303 : i32 to index
      %get3A_305 = arith.constant 0 : index
      %get3A_306 = tpu.vector_load %arg9[%get3A_304, %get3A_305] {strides = array<i32>} : memref<25x80xi32, #tpu.memory_space<vmem>>, vector<16xi32>,
      %mul3A_307 = arith.constant 10000 : i32
      %mul3A_308 = vector.broadcast %mul3A_307 : i32 to vector<16xi32>
      %mul3A_309 = arith.muli %get3A_302, %mul3A_308 : vector<16xi32>
      %add3A_310 = arith.addi %mul3A_309, %get3A_306 : vector<16xi32>
      %shift_right_logical3A_311 = arith.constant 7 : i32
      %shift_right_logical3A_312 = vector.broadcast %shift_right_logical3A_311 : i32 to vector<16xi32>
      %shift_right_logical3A_313 = arith.shrui %add3A_310, %shift_right_logical3A_312 : vector<16xi32>
      %swap3A_314 = arith.constant 24 : i32
      %swap3A_315 = arith.index_cast %swap3A_314 : i32 to index
      %swap3A_316 = arith.constant 0 : index
      %swap3A_317 = tpu.vector_load %arg10[%swap3A_315, %swap3A_316] {strides = array<i32>} : memref<25x80xi32, #tpu.memory_space<vmem>>, vector<16xi32>,
      tpu.vector_store %arg10[%swap3A_315, %swap3A_316], %shift_right_logical3A_313 {strides = array<i32>} : memref<25x80xi32, #tpu.memory_space<vmem>>, vector<16xi32>,
      %and3A_318 = arith.constant 127 : i32
      %and3A_319 = vector.broadcast %and3A_318 : i32 to vector<16xi32>
      %and3A_320 = arith.andi %add3A_310, %and3A_319 : vector<16xi32>
      %swap3A_321 = arith.constant 0 : index
      %swap3A_322 = tpu.vector_load %arg11[%swap3A_321] {strides = array<i32>} : memref<80xi32, #tpu.memory_space<vmem>>, vector<16xi32>,
      tpu.vector_store %arg11[%swap3A_321], %and3A_320 {strides = array<i32>} : memref<80xi32, #tpu.memory_space<vmem>>, vector<16xi32>,
      %get3A_323 = arith.constant 24 : i32
      %get3A_324 = arith.index_cast %get3A_323 : i32 to index
      %get3A_325 = arith.constant 16 : index
      %get3A_326 = tpu.vector_load %arg8[%get3A_324, %get3A_325] {strides = array<i32>} : memref<25x80xi32, #tpu.memory_space<vmem>>, vector<16xi32>,
      %get3A_327 = arith.constant 24 : i32
      %get3A_328 = arith.index_cast %get3A_327 : i32 to index
      %get3A_329 = arith.constant 16 : index
      %get3A_330 = tpu.vector_load %arg9[%get3A_328, %get3A_329] {strides = array<i32>} : memref<25x80xi32, #tpu.memory_space<vmem>>, vector<16xi32>,
      %mul3A_331 = arith.constant 10000 : i32
      %mul3A_332 = vector.broadcast %mul3A_331 : i32 to vector<16xi32>
      %mul3A_333 = arith.muli %get3A_326, %mul3A_332 : vector<16xi32>
      %add3A_334 = arith.addi %mul3A_333, %get3A_330 : vector<16xi32>
      %shift_right_logical3A_335 = arith.constant 7 : i32
      %shift_right_logical3A_336 = vector.broadcast %shift_right_logical3A_335 : i32 to vector<16xi32>
      %shift_right_logical3A_337 = arith.shrui %add3A_334, %shift_right_logical3A_336 : vector<16xi32>
      %swap3A_338 = arith.constant 24 : i32
      %swap3A_339 = arith.index_cast %swap3A_338 : i32 to index
      %swap3A_340 = arith.constant 16 : index
      %swap3A_341 = tpu.vector_load %arg10[%swap3A_339, %swap3A_340] {strides = array<i32>} : memref<25x80xi32, #tpu.memory_space<vmem>>, vector<16xi32>,
      tpu.vector_store %arg10[%swap3A_339, %swap3A_340], %shift_right_logical3A_337 {strides = array<i32>} : memref<25x80xi32, #tpu.memory_space<vmem>>, vector<16xi32>,
      %and3A_342 = arith.constant 127 : i32
      %and3A_343 = vector.broadcast %and3A_342 : i32 to vector<16xi32>
      %and3A_344 = arith.andi %add3A_334, %and3A_343 : vector<16xi32>
      %swap3A_345 = arith.constant 16 : index
      %swap3A_346 = tpu.vector_load %arg11[%swap3A_345] {strides = array<i32>} : memref<80xi32, #tpu.memory_space<vmem>>, vector<16xi32>,
      tpu.vector_store %arg11[%swap3A_345], %and3A_344 {strides = array<i32>} : memref<80xi32, #tpu.memory_space<vmem>>, vector<16xi32>,
      %get3A_347 = arith.constant 24 : i32
      %get3A_348 = arith.index_cast %get3A_347 : i32 to index
      %get3A_349 = arith.constant 32 : index
      %get3A_350 = tpu.vector_load %arg8[%get3A_348, %get3A_349] {strides = array<i32>} : memref<25x80xi32, #tpu.memory_space<vmem>>, vector<16xi32>,
      %get3A_351 = arith.constant 24 : i32
      %get3A_352 = arith.index_cast %get3A_351 : i32 to index
      %get3A_353 = arith.constant 32 : index
      %get3A_354 = tpu.vector_load %arg9[%get3A_352, %get3A_353] {strides = array<i32>} : memref<25x80xi32, #tpu.memory_space<vmem>>, vector<16xi32>,
      %mul3A_355 = arith.constant 10000 : i32
      %mul3A_356 = vector.broadcast %mul3A_355 : i32 to vector<16xi32>
      %mul3A_357 = arith.muli %get3A_350, %mul3A_356 : vector<16xi32>
      %add3A_358 = arith.addi %mul3A_357, %get3A_354 : vector<16xi32>
      %shift_right_logical3A_359 = arith.constant 7 : i32
      %shift_right_logical3A_360 = vector.broadcast %shift_right_logical3A_359 : i32 to vector<16xi32>
      %shift_right_logical3A_361 = arith.shrui %add3A_358, %shift_right_logical3A_360 : vector<16xi32>
      %swap3A_362 = arith.constant 24 : i32
      %swap3A_363 = arith.index_cast %swap3A_362 : i32 to index
      %swap3A_364 = arith.constant 32 : index
      %swap3A_365 = tpu.vector_load %arg10[%swap3A_363, %swap3A_364] {strides = array<i32>} : memref<25x80xi32, #tpu.memory_space<vmem>>, vector<16xi32>,
      tpu.vector_store %arg10[%swap3A_363, %swap3A_364], %shift_right_logical3A_361 {strides = array<i32>} : memref<25x80xi32, #tpu.memory_space<vmem>>, vector<16xi32>,
      %and3A_366 = arith.constant 127 : i32
      %and3A_367 = vector.broadcast %and3A_366 : i32 to vector<16xi32>
      %and3A_368 = arith.andi %add3A_358, %and3A_367 : vector<16xi32>
      %swap3A_369 = arith.constant 32 : index
      %swap3A_370 = tpu.vector_load %arg11[%swap3A_369] {strides = array<i32>} : memref<80xi32, #tpu.memory_space<vmem>>, vector<16xi32>,
      tpu.vector_store %arg11[%swap3A_369], %and3A_368 {strides = array<i32>} : memref<80xi32, #tpu.memory_space<vmem>>, vector<16xi32>,
      %get3A_371 = arith.constant 24 : i32
      %get3A_372 = arith.index_cast %get3A_371 : i32 to index
      %get3A_373 = arith.constant 48 : index
      %get3A_374 = tpu.vector_load %arg8[%get3A_372, %get3A_373] {strides = array<i32>} : memref<25x80xi32, #tpu.memory_space<vmem>>, vector<16xi32>,
      %get3A_375 = arith.constant 24 : i32
      %get3A_376 = arith.index_cast %get3A_375 : i32 to index
      %get3A_377 = arith.constant 48 : index
      %get3A_378 = tpu.vector_load %arg9[%get3A_376, %get3A_377] {strides = array<i32>} : memref<25x80xi32, #tpu.memory_space<vmem>>, vector<16xi32>,
      %mul3A_379 = arith.constant 10000 : i32
      %mul3A_380 = vector.broadcast %mul3A_379 : i32 to vector<16xi32>
      %mul3A_381 = arith.muli %get3A_374, %mul3A_380 : vector<16xi32>
      %add3A_382 = arith.addi %mul3A_381, %get3A_378 : vector<16xi32>
      %shift_right_logical3A_383 = arith.constant 7 : i32
      %shift_right_logical3A_384 = vector.broadcast %shift_right_logical3A_383 : i32 to vector<16xi32>
      %shift_right_logical3A_385 = arith.shrui %add3A_382, %shift_right_logical3A_384 : vector<16xi32>
      %swap3A_386 = arith.constant 24 : i32
      %swap3A_387 = arith.index_cast %swap3A_386 : i32 to index
      %swap3A_388 = arith.constant 48 : index
      %swap3A_389 = tpu.vector_load %arg10[%swap3A_387, %swap3A_388] {strides = array<i32>} : memref<25x80xi32, #tpu.memory_space<vmem>>, vector<16xi32>,
      tpu.vector_store %arg10[%swap3A_387, %swap3A_388], %shift_right_logical3A_385 {strides = array<i32>} : memref<25x80xi32, #tpu.memory_space<vmem>>, vector<16xi32>,
      %and3A_390 = arith.constant 127 : i32
      %and3A_391 = vector.broadcast %and3A_390 : i32 to vector<16xi32>
      %and3A_392 = arith.andi %add3A_382, %and3A_391 : vector<16xi32>
      %swap3A_393 = arith.constant 48 : index
      %swap3A_394 = tpu.vector_load %arg11[%swap3A_393] {strides = array<i32>} : memref<80xi32, #tpu.memory_space<vmem>>, vector<16xi32>,
      tpu.vector_store %arg11[%swap3A_393], %and3A_392 {strides = array<i32>} : memref<80xi32, #tpu.memory_space<vmem>>, vector<16xi32>,
      %get3A_395 = arith.constant 24 : i32
      %get3A_396 = arith.index_cast %get3A_395 : i32 to index
      %get3A_397 = arith.constant 64 : index
      %get3A_398 = tpu.vector_load %arg8[%get3A_396, %get3A_397] {strides = array<i32>} : memref<25x80xi32, #tpu.memory_space<vmem>>, vector<16xi32>,
      %get3A_399 = arith.constant 24 : i32
      %get3A_400 = arith.index_cast %get3A_399 : i32 to index
      %get3A_401 = arith.constant 64 : index
      %get3A_402 = tpu.vector_load %arg9[%get3A_400, %get3A_401] {strides = array<i32>} : memref<25x80xi32, #tpu.memory_space<vmem>>, vector<16xi32>,
      %mul3A_403 = arith.constant 10000 : i32
      %mul3A_404 = vector.broadcast %mul3A_403 : i32 to vector<16xi32>
      %mul3A_405 = arith.muli %get3A_398, %mul3A_404 : vector<16xi32>
      %add3A_406 = arith.addi %mul3A_405, %get3A_402 : vector<16xi32>
      %shift_right_logical3A_407 = arith.constant 7 : i32
      %shift_right_logical3A_408 = vector.broadcast %shift_right_logical3A_407 : i32 to vector<16xi32>
      %shift_right_logical3A_409 = arith.shrui %add3A_406, %shift_right_logical3A_408 : vector<16xi32>
      %swap3A_410 = arith.constant 24 : i32
      %swap3A_411 = arith.index_cast %swap3A_410 : i32 to index
      %swap3A_412 = arith.constant 64 : index
      %swap3A_413 = tpu.vector_load %arg10[%swap3A_411, %swap3A_412] {strides = array<i32>} : memref<25x80xi32, #tpu.memory_space<vmem>>, vector<16xi32>,
      tpu.vector_store %arg10[%swap3A_411, %swap3A_412], %shift_right_logical3A_409 {strides = array<i32>} : memref<25x80xi32, #tpu.memory_space<vmem>>, vector<16xi32>,
      %and3A_414 = arith.constant 127 : i32
      %and3A_415 = vector.broadcast %and3A_414 : i32 to vector<16xi32>
      %and3A_416 = arith.andi %add3A_406, %and3A_415 : vector<16xi32>
      %swap3A_417 = arith.constant 64 : index
      %swap3A_418 = tpu.vector_load %arg11[%swap3A_417] {strides = array<i32>} : memref<80xi32, #tpu.memory_space<vmem>>, vector<16xi32>,
      tpu.vector_store %arg11[%swap3A_417], %and3A_416 {strides = array<i32>} : memref<80xi32, #tpu.memory_space<vmem>>, vector<16xi32>,
      %scan3A_419 = arith.constant 0 : i32
      %scan3A_420 = arith.constant 0 : i32
      %scan3A_421 = arith.constant 80 : i32
      %scan3A_422 = arith.addi %scan3A_420, %scan3A_421 : i32
      %scan3A_423 = arith.constant 1 : i32
      %scan3A_424 = scf.for %scan3A_448 = %scan3A_420 to %scan3A_422 step %scan3A_423 iter_args(%scan3A_449 = %scan3A_419) -> (i32)  : i32 {
        %broadcast_in_dim3A_450 = vector.broadcast %scan3A_448 : i32 to vector<16xi32>
        %gather3A = tpu.vector_load_idx %arg11[%broadcast_in_dim3A_450] : memref<80xi32, #tpu.memory_space<vmem>>[vector<16xi32>], vector<16xi32>,
        %add3A_451 = arith.constant 0 : i32
        %add3A_452 = vector.broadcast %add3A_451 : i32 to vector<16xi32>
        %add3A_453 = arith.addi %iota3A, %add3A_452 : vector<16xi32>
        %eq3A_454 = arith.cmpi eq, %add3A_453, %gather3A : vector<16xi32>
        %jit3A = arith.constant 1.000000e+00 : f32
        %jit3A_455 = arith.constant 0.000000e+00 : f32
        %broadcast_in_dim3A_456 = vector.broadcast %jit3A : f32 to vector<16xf32>
        %broadcast_in_dim3A_457 = vector.broadcast %jit3A_455 : f32 to vector<16xf32>
        %select_n3A = arith.select %eq3A_454, %broadcast_in_dim3A_456, %broadcast_in_dim3A_457 : vector<16xi1>, vector<16xf32>
        %swap3A_458 = arith.index_cast %scan3A_448 : i32 to index
        %swap3A_459 = arith.constant 0 : index
        %swap3A_460 = tpu.vector_load %arg12[%swap3A_458, %swap3A_459] {strides = array<i32>} : memref<80x128xf32, #tpu.memory_space<vmem>>, vector<16xf32>,
        tpu.vector_store %arg12[%swap3A_458, %swap3A_459], %select_n3A {strides = array<i32>} : memref<80x128xf32, #tpu.memory_space<vmem>>, vector<16xf32>,
        %add3A_461 = arith.constant 16 : i32
        %add3A_462 = vector.broadcast %add3A_461 : i32 to vector<16xi32>
        %add3A_463 = arith.addi %iota3A, %add3A_462 : vector<16xi32>
        %eq3A_464 = arith.cmpi eq, %add3A_463, %gather3A : vector<16xi32>
        %jit3A_465 = arith.constant 1.000000e+00 : f32
        %jit3A_466 = arith.constant 0.000000e+00 : f32
        %broadcast_in_dim3A_467 = vector.broadcast %jit3A_465 : f32 to vector<16xf32>
        %broadcast_in_dim3A_468 = vector.broadcast %jit3A_466 : f32 to vector<16xf32>
        %select_n3A_469 = arith.select %eq3A_464, %broadcast_in_dim3A_467, %broadcast_in_dim3A_468 : vector<16xi1>, vector<16xf32>
        %swap3A_470 = arith.index_cast %scan3A_448 : i32 to index
        %swap3A_471 = arith.constant 16 : index
        %swap3A_472 = tpu.vector_load %arg12[%swap3A_470, %swap3A_471] {strides = array<i32>} : memref<80x128xf32, #tpu.memory_space<vmem>>, vector<16xf32>,
        tpu.vector_store %arg12[%swap3A_470, %swap3A_471], %select_n3A_469 {strides = array<i32>} : memref<80x128xf32, #tpu.memory_space<vmem>>, vector<16xf32>,
        %add3A_473 = arith.constant 32 : i32
        %add3A_474 = vector.broadcast %add3A_473 : i32 to vector<16xi32>
        %add3A_475 = arith.addi %iota3A, %add3A_474 : vector<16xi32>
        %eq3A_476 = arith.cmpi eq, %add3A_475, %gather3A : vector<16xi32>
        %jit3A_477 = arith.constant 1.000000e+00 : f32
        %jit3A_478 = arith.constant 0.000000e+00 : f32
        %broadcast_in_dim3A_479 = vector.broadcast %jit3A_477 : f32 to vector<16xf32>
        %broadcast_in_dim3A_480 = vector.broadcast %jit3A_478 : f32 to vector<16xf32>
        %select_n3A_481 = arith.select %eq3A_476, %broadcast_in_dim3A_479, %broadcast_in_dim3A_480 : vector<16xi1>, vector<16xf32>
        %swap3A_482 = arith.index_cast %scan3A_448 : i32 to index
        %swap3A_483 = arith.constant 32 : index
        %swap3A_484 = tpu.vector_load %arg12[%swap3A_482, %swap3A_483] {strides = array<i32>} : memref<80x128xf32, #tpu.memory_space<vmem>>, vector<16xf32>,
        tpu.vector_store %arg12[%swap3A_482, %swap3A_483], %select_n3A_481 {strides = array<i32>} : memref<80x128xf32, #tpu.memory_space<vmem>>, vector<16xf32>,
        %add3A_485 = arith.constant 48 : i32
        %add3A_486 = vector.broadcast %add3A_485 : i32 to vector<16xi32>
        %add3A_487 = arith.addi %iota3A, %add3A_486 : vector<16xi32>
        %eq3A_488 = arith.cmpi eq, %add3A_487, %gather3A : vector<16xi32>
        %jit3A_489 = arith.constant 1.000000e+00 : f32
        %jit3A_490 = arith.constant 0.000000e+00 : f32
        %broadcast_in_dim3A_491 = vector.broadcast %jit3A_489 : f32 to vector<16xf32>
        %broadcast_in_dim3A_492 = vector.broadcast %jit3A_490 : f32 to vector<16xf32>
        %select_n3A_493 = arith.select %eq3A_488, %broadcast_in_dim3A_491, %broadcast_in_dim3A_492 : vector<16xi1>, vector<16xf32>
        %swap3A_494 = arith.index_cast %scan3A_448 : i32 to index
        %swap3A_495 = arith.constant 48 : index
        %swap3A_496 = tpu.vector_load %arg12[%swap3A_494, %swap3A_495] {strides = array<i32>} : memref<80x128xf32, #tpu.memory_space<vmem>>, vector<16xf32>,
        tpu.vector_store %arg12[%swap3A_494, %swap3A_495], %select_n3A_493 {strides = array<i32>} : memref<80x128xf32, #tpu.memory_space<vmem>>, vector<16xf32>,
        %add3A_497 = arith.constant 64 : i32
        %add3A_498 = vector.broadcast %add3A_497 : i32 to vector<16xi32>
        %add3A_499 = arith.addi %iota3A, %add3A_498 : vector<16xi32>
        %eq3A_500 = arith.cmpi eq, %add3A_499, %gather3A : vector<16xi32>
        %jit3A_501 = arith.constant 1.000000e+00 : f32
        %jit3A_502 = arith.constant 0.000000e+00 : f32
        %broadcast_in_dim3A_503 = vector.broadcast %jit3A_501 : f32 to vector<16xf32>
        %broadcast_in_dim3A_504 = vector.broadcast %jit3A_502 : f32 to vector<16xf32>
        %select_n3A_505 = arith.select %eq3A_500, %broadcast_in_dim3A_503, %broadcast_in_dim3A_504 : vector<16xi1>, vector<16xf32>
        %swap3A_506 = arith.index_cast %scan3A_448 : i32 to index
        %swap3A_507 = arith.constant 64 : index
        %swap3A_508 = tpu.vector_load %arg12[%swap3A_506, %swap3A_507] {strides = array<i32>} : memref<80x128xf32, #tpu.memory_space<vmem>>, vector<16xf32>,
        tpu.vector_store %arg12[%swap3A_506, %swap3A_507], %select_n3A_505 {strides = array<i32>} : memref<80x128xf32, #tpu.memory_space<vmem>>, vector<16xf32>,
        %add3A_509 = arith.constant 80 : i32
        %add3A_510 = vector.broadcast %add3A_509 : i32 to vector<16xi32>
        %add3A_511 = arith.addi %iota3A, %add3A_510 : vector<16xi32>
        %eq3A_512 = arith.cmpi eq, %add3A_511, %gather3A : vector<16xi32>
        %jit3A_513 = arith.constant 1.000000e+00 : f32
        %jit3A_514 = arith.constant 0.000000e+00 : f32
        %broadcast_in_dim3A_515 = vector.broadcast %jit3A_513 : f32 to vector<16xf32>
        %broadcast_in_dim3A_516 = vector.broadcast %jit3A_514 : f32 to vector<16xf32>
        %select_n3A_517 = arith.select %eq3A_512, %broadcast_in_dim3A_515, %broadcast_in_dim3A_516 : vector<16xi1>, vector<16xf32>
        %swap3A_518 = arith.index_cast %scan3A_448 : i32 to index
        %swap3A_519 = arith.constant 80 : index
        %swap3A_520 = tpu.vector_load %arg12[%swap3A_518, %swap3A_519] {strides = array<i32>} : memref<80x128xf32, #tpu.memory_space<vmem>>, vector<16xf32>,
        tpu.vector_store %arg12[%swap3A_518, %swap3A_519], %select_n3A_517 {strides = array<i32>} : memref<80x128xf32, #tpu.memory_space<vmem>>, vector<16xf32>,
        %add3A_521 = arith.constant 96 : i32
        %add3A_522 = vector.broadcast %add3A_521 : i32 to vector<16xi32>
        %add3A_523 = arith.addi %iota3A, %add3A_522 : vector<16xi32>
        %eq3A_524 = arith.cmpi eq, %add3A_523, %gather3A : vector<16xi32>
        %jit3A_525 = arith.constant 1.000000e+00 : f32
        %jit3A_526 = arith.constant 0.000000e+00 : f32
        %broadcast_in_dim3A_527 = vector.broadcast %jit3A_525 : f32 to vector<16xf32>
        %broadcast_in_dim3A_528 = vector.broadcast %jit3A_526 : f32 to vector<16xf32>
        %select_n3A_529 = arith.select %eq3A_524, %broadcast_in_dim3A_527, %broadcast_in_dim3A_528 : vector<16xi1>, vector<16xf32>
        %swap3A_530 = arith.index_cast %scan3A_448 : i32 to index
        %swap3A_531 = arith.constant 96 : index
        %swap3A_532 = tpu.vector_load %arg12[%swap3A_530, %swap3A_531] {strides = array<i32>} : memref<80x128xf32, #tpu.memory_space<vmem>>, vector<16xf32>,
        tpu.vector_store %arg12[%swap3A_530, %swap3A_531], %select_n3A_529 {strides = array<i32>} : memref<80x128xf32, #tpu.memory_space<vmem>>, vector<16xf32>,
        %add3A_533 = arith.constant 112 : i32
        %add3A_534 = vector.broadcast %add3A_533 : i32 to vector<16xi32>
        %add3A_535 = arith.addi %iota3A, %add3A_534 : vector<16xi32>
        %eq3A_536 = arith.cmpi eq, %add3A_535, %gather3A : vector<16xi32>
        %jit3A_537 = arith.constant 1.000000e+00 : f32
        %jit3A_538 = arith.constant 0.000000e+00 : f32
        %broadcast_in_dim3A_539 = vector.broadcast %jit3A_537 : f32 to vector<16xf32>
        %broadcast_in_dim3A_540 = vector.broadcast %jit3A_538 : f32 to vector<16xf32>
        %select_n3A_541 = arith.select %eq3A_536, %broadcast_in_dim3A_539, %broadcast_in_dim3A_540 : vector<16xi1>, vector<16xf32>
        %swap3A_542 = arith.index_cast %scan3A_448 : i32 to index
        %swap3A_543 = arith.constant 112 : index
        %swap3A_544 = tpu.vector_load %arg12[%swap3A_542, %swap3A_543] {strides = array<i32>} : memref<80x128xf32, #tpu.memory_space<vmem>>, vector<16xf32>,
        tpu.vector_store %arg12[%swap3A_542, %swap3A_543], %select_n3A_541 {strides = array<i32>} : memref<80x128xf32, #tpu.memory_space<vmem>>, vector<16xf32>,
        %scan3A_545 = arith.constant 0 : i32
        scf.yield %scan3A_545 : i32
      }
      %scan3A_425 = arith.constant 80 : i32
      %dma_start3A_426 = arith.constant 24 : i32
      %dma_start3A_427 = arith.constant 0 : i32
      %dma_start3A_428 = tpu.memref_slice %arg10[%dma_start3A_426, %dma_start3A_427] : memref<25x80xi32, #tpu.memory_space<vmem>> -> memref<1x80xi32, #tpu.memory_space<vmem>>
      %dma_start3A_429 = tpu.memref_squeeze %dma_start3A_428 : memref<1x80xi32, #tpu.memory_space<vmem>> -> memref<80xi32, #tpu.memory_space<vmem>>
      %dma_start3A_430 = arith.constant 0 : i32
      %dma_start3A_431 = arith.constant 0 : i32
      %dma_start3A_432 = tpu.memref_slice %arg6[%dma_start3A_430, %dma_start3A_431] : memref<625x128xf32, #tpu.memory_space<vmem_shared>> -> memref<625x128xf32, #tpu.memory_space<vmem_shared>>
      tpu.enqueue_indirect_dma source(%arg12 : memref<80x128xf32, #tpu.memory_space<vmem>>) target(%dma_start3A_432 : memref<625x128xf32, #tpu.memory_space<vmem_shared>>) offsets(%dma_start3A_429 : memref<80xi32, #tpu.memory_space<vmem>>) semaphore(%arg14 : memref<!tpu.dma_semaphore, #tpu.memory_space<semaphore_mem>>) {add = true}
      %dma_wait3A_433 = arith.constant 23 : i32
      %dma_wait3A_434 = arith.constant 0 : i32
      %dma_wait3A_435 = tpu.memref_slice %arg10[%dma_wait3A_433, %dma_wait3A_434] : memref<25x80xi32, #tpu.memory_space<vmem>> -> memref<1x80xi32, #tpu.memory_space<vmem>>
      %dma_wait3A_436 = tpu.memref_squeeze %dma_wait3A_435 : memref<1x80xi32, #tpu.memory_space<vmem>> -> memref<80xi32, #tpu.memory_space<vmem>>
      %dma_wait3A_437 = arith.constant 0 : i32
      %dma_wait3A_438 = arith.constant 0 : i32
      %dma_wait3A_439 = tpu.memref_slice %arg6[%dma_wait3A_437, %dma_wait3A_438] : memref<625x128xf32, #tpu.memory_space<vmem_shared>> -> memref<625x128xf32, #tpu.memory_space<vmem_shared>>
      tpu.wait_indirect_dma semaphore(%arg15 : memref<!tpu.dma_semaphore, #tpu.memory_space<semaphore_mem>>) src(%arg13 : memref<80x128xf32, #tpu.memory_space<vmem>>) dst(%dma_wait3A_439 : memref<625x128xf32, #tpu.memory_space<vmem_shared>>)
      %dma_wait3A_440 = arith.constant 24 : i32
      %dma_wait3A_441 = arith.constant 0 : i32
      %dma_wait3A_442 = tpu.memref_slice %arg10[%dma_wait3A_440, %dma_wait3A_441] : memref<25x80xi32, #tpu.memory_space<vmem>> -> memref<1x80xi32, #tpu.memory_space<vmem>>
      %dma_wait3A_443 = tpu.memref_squeeze %dma_wait3A_442 : memref<1x80xi32, #tpu.memory_space<vmem>> -> memref<80xi32, #tpu.memory_space<vmem>>
      %dma_wait3A_444 = arith.constant 0 : i32
      %dma_wait3A_445 = arith.constant 0 : i32
      %dma_wait3A_446 = tpu.memref_slice %arg6[%dma_wait3A_444, %dma_wait3A_445] : memref<625x128xf32, #tpu.memory_space<vmem_shared>> -> memref<625x128xf32, #tpu.memory_space<vmem_shared>>
      tpu.wait_indirect_dma semaphore(%arg14 : memref<!tpu.dma_semaphore, #tpu.memory_space<semaphore_mem>>) src(%arg12 : memref<80x128xf32, #tpu.memory_space<vmem>>) dst(%dma_wait3A_446 : memref<625x128xf32, #tpu.memory_space<vmem_shared>>)
      %scan3A_447 = arith.constant 0 : i32
      scf.yield %scan3A_447 : i32
    }
    %scan3A_15 = arith.constant 5 : i32
    %barrier3A_16 = arith.constant 0 : index
    tpu.barrier barrier_id(%barrier3A_16)
    %eq3A = arith.constant 0 : i32
    %eq3A_17 = arith.cmpi eq, %arg1, %eq3A : i32
    %convert_element_type3A = arith.extui %eq3A_17 : i1 to i32
    %cond3A = arith.constant 0 : i32
    %cond3A_18 = arith.cmpi ne, %convert_element_type3A, %cond3A : i32
    scf.if %cond3A_18 {
      "tpu.region"() ({
        %run_scoped3A = tpu.sem_alloc : memref<!tpu.dma_semaphore, #tpu.memory_space<semaphore_mem>>
        %dma_start3A = arith.constant 0 : i32
        %dma_start3A_19 = arith.constant 0 : i32
        %dma_start3A_20 = tpu.memref_slice %arg4[%arg0, %dma_start3A, %dma_start3A_19] : memref<2x625x128xf32, #tpu.memory_space<hbm>> -> memref<1x625x128xf32, #tpu.memory_space<hbm>>
        %dma_start3A_21 = tpu.memref_squeeze %dma_start3A_20 : memref<1x625x128xf32, #tpu.memory_space<hbm>> -> memref<625x128xf32, #tpu.memory_space<hbm>>
        tpu.enqueue_dma source(%arg6 : memref<625x128xf32, #tpu.memory_space<vmem_shared>>) target(%dma_start3A_21 : memref<625x128xf32, #tpu.memory_space<hbm>>) target_semaphore(%run_scoped3A : memref<!tpu.dma_semaphore, #tpu.memory_space<semaphore_mem>>)
        %dma_wait3A = arith.constant 0 : i32
        %dma_wait3A_22 = arith.constant 0 : i32
        %dma_wait3A_23 = tpu.memref_slice %arg4[%arg0, %dma_wait3A, %dma_wait3A_22] : memref<2x625x128xf32, #tpu.memory_space<hbm>> -> memref<1x625x128xf32, #tpu.memory_space<hbm>>
        %dma_wait3A_24 = tpu.memref_squeeze %dma_wait3A_23 : memref<1x625x128xf32, #tpu.memory_space<hbm>> -> memref<625x128xf32, #tpu.memory_space<hbm>>
        tpu.wait_dma2 semaphore(%run_scoped3A : memref<!tpu.dma_semaphore, #tpu.memory_space<semaphore_mem>>) src(%arg6 : memref<625x128xf32, #tpu.memory_space<vmem_shared>>) dst(%dma_wait3A_24 : memref<625x128xf32, #tpu.memory_space<hbm>>)
        tpu.yield
      }) : () -> ()
    } else {
    }
    return
  }
}

</mosaic_0001>

<sc_bundles>
// kernel: _count.3.cloned.1.call-start
scs
__scs_entry_jumppad:
0x0: {  	(pc) =	sbr.rel $0x88, $3  }
0x1: {  	(tag) =	ssettag $0x0;
	lr =	simm.s32 $0x1  }
0x2: {  	[smem:$0x3F9F] =	sst lr;
	_ =	strace $0xD0000000  }
0x3: {  	_ = 	snop  }
0x4: {  	_ = 	snop  }
0x5: {  	_ = 	snop  }
0x6: {  	_ = 	snop  }
0x7: {  	_ = 	snop  }
__scs_overlays_trampoline_lowered:
0x8: {  	[smem:$0x3FAE] =	sst s0  }
0x9: {  	[smem:$0x3FAF] =	sst s1  }
0xa: {  	[smem:$0x3FB0] =	sst s2  }
0xb: {  	[smem:$0x3FB1] =	sst s3  }
0xc: {  	[smem:$0x3FB2] =	sst s4  }
0xd: {  	[smem:$0x3FB3] =	sst s5  }
0xe: {  	[smem:$0x3FB4] =	sst s6  }
0xf: {  	[smem:$0x3FB5] =	sst s7  }
0x10: {  	[smem:$0x3FB6] =	sst s8  }
0x11: {  	[smem:$0x3FB7] =	sst s9;
	s0 =	simm.s32 @!p0 $0x0  }
0x12: {  	s1 =	sld [smem:$0x3F9D];
	s0 =	simm.s32 @p0 $0x1  }
0x13: {  	[smem:$0x3FB8] =	sst s0;
	s0 =	simm.s32 @!p1 $0x0  }
0x14: {  	s2 =	sld [smem:$0x3F9C];
	s0 =	simm.s32 @p1 $0x1  }
0x15: {  	[smem:$0x3FB9] =	sst s0;
	s0 =	simm.s32 @!p2 $0x0  }
0x16: {  	s3 =	sld [smem:$0x3FDB];
	s0 =	simm.s32 @p2 $0x1  }
0x17: {  	s4 =	simm.s32 $0x1BF5;
	[smem:$0x3FBB] =	sst s0  }
0x18: {  	s0 =	sld [smem:$0x3F9E];
	_ =	swait.ge [sflag:s4], $0x0  }
0x19: {  	s7 =	sld [smem:$0x3F9F]  }
0x1a: {  	s8 =	sadd.s32 $0xFFFFE003, lr  }
0x1b: {  	s9 =	sadd.s32 $0xFFFFFEF7, lr;
	s5 =	simm.s32 $0xFFFFFFFF;
	p2 =	slt.u32 s8, $0xFFFFF086  }
0x1c: {  	p1 =	slt.u32 s9, $0xF7A;
	s5 =	simm.s32 @!p2 $0x0  }
0x1d: {  	s5 =	simm.s32 @p1 $0x1;
	p0 =	seq.s32 s7, s2  }
0x1e: {  	s7 =	smul.u32 @!p0 $0xF7A, s2;
	p2 =	seq.s32 @!p0 s5, $0x0  }
0x1f: {  	s9 =	smul.u32 $0xF7A, s1;
	s8 =	simm.s32 @!p0 $0x1BF5;
	p2 =	por !p2, p0  }
0x20: {  	[sflag:s8] =	ssyncset.s32 @!p0 $0xFFFFF086;
	s6 =	sadd.s32 @!p0 s3, s7;
	s7 =	simm.s32 @!p0 $0x108  }
0x21: {  	s3 =	sadd.s32 s3, s9;
	s6 =	sadd.s32 @!p0 $0x88, s6;
	s7 =	simm.s32 @p2 $0x1082  }
0x22: {  	[simem:s7], [sflag:s8] =	dma.local @!p0 [hbm:s6], $0xF7A  }
0x23: {  	s9 =	sor.u32 $0xD0000000, s2;
	s6 =	simm.s32 $0x108;
	_ =	swait.ge @!p0 [sflag:s8], $0x0  }
0x24: {  	s3 =	sadd.s32 $0x88, s3;
	s6 =	simm.s32 @!p1 $0x1082;
	[sflag:s4] =	ssyncset.s32 $0xFFFFF086  }
0x25: {  	[simem:s6], [sflag:s4] =	dma.local [hbm:s3], $0xF7A  }
0x26: {  	[smem:$0x3F9F] =	sst s1;
	(tag) =	ssettag s2;
	_ =	strace s9  }
0x27: {  	s1 =	sld [smem:$0x3FAF]  }
0x28: {  	s2 =	sld [smem:$0x3FB0]  }
0x29: {  	s4 =	sld [smem:$0x3FB2]  }
0x2a: {  	p0 =	seq.s32 s5, $0x0;
	s5 =	sld [smem:$0x3FB3]  }
0x2b: {  	s6 =	sld [smem:$0x3FB4]  }
0x2c: {  	s7 =	sld [smem:$0x3FB5]  }
0x2d: {  	s3 =	simm.s32 $0x108;
	s8 =	sld [smem:$0x3FB6]  }
0x2e: {  	s3 =	simm.s32 @!p0 $0x1082;
	s9 =	sld [smem:$0x3FB7]  }
0x2f: {  	lr =	sadd.s32 s0, s3;
	s0 =	sld [smem:$0x3FAE]  }
0x30: {  	s3 =	sld [smem:$0x3FB1]  }
0x31: {  	[smem:$0x3FBA] =	sst s10  }
0x32: {  	s10 =	sld [smem:$0x3FB8];
	_ =	sdelay $0x3  }
0x33: {  	p0 =	seq.s32 s10, $0x1;
	s10 =	sld [smem:$0x3FBA];
	_ =	sdelay $0x3  }
0x34: {  	[smem:$0x3FBA] =	sst s10  }
0x35: {  	s10 =	sld [smem:$0x3FB9];
	_ =	sdelay $0x3  }
0x36: {  	p1 =	seq.s32 s10, $0x1;
	s10 =	sld [smem:$0x3FBA];
	_ =	sdelay $0x3  }
0x37: {  	[smem:$0x3FBA] =	sst s10  }
0x38: {  	s10 =	sld [smem:$0x3FBB]  }
0x39: {  	_ = 	snop;
	(pc) =	sbr.ind lr, $3  }
0x3a: {  	_ = 	snop  }
0x3b: {  	_ = 	snop  }
0x3c: {  	p2 =	seq.s32 s10, $0x1;
	s10 =	sld [smem:$0x3FBA]  }
0x3d: {  	_ =	shalt  }
0x3e: {  	_ =	shalt  }
0x3f: {  	_ =	shalt  }
0x40: {  	_ =	shalt  }
0x41: {  	_ =	shalt  }
0x42: {  	_ =	shalt  }
0x43: {  	_ =	shalt  }
0x44: {  	_ =	shalt  }
0x45: {  	_ =	shalt  }
0x46: {  	_ =	shalt  }
0x47: {  	_ =	shalt  }
0x48: {  	_ =	shalt  }
0x49: {  	_ =	shalt  }
0x4a: {  	_ =	shalt  }
0x4b: {  	_ =	shalt  }
0x4c: {  	_ =	shalt  }
0x4d: {  	_ =	shalt  }
0x4e: {  	_ =	shalt  }
0x4f: {  	_ =	shalt  }
0x50: {  	_ =	shalt  }
0x51: {  	_ =	shalt  }
0x52: {  	_ =	shalt  }
0x53: {  	_ =	shalt  }
0x54: {  	_ =	shalt  }
0x55: {  	_ =	shalt  }
0x56: {  	_ =	shalt  }
0x57: {  	_ =	shalt  }
0x58: {  	_ =	shalt  }
0x59: {  	_ =	shalt  }
0x5a: {  	_ =	shalt  }
0x5b: {  	_ =	shalt  }
0x5c: {  	_ =	shalt  }
0x5d: {  	_ =	shalt  }
0x5e: {  	_ =	shalt  }
0x5f: {  	_ =	shalt  }
0x60: {  	_ =	shalt  }
0x61: {  	_ =	shalt  }
0x62: {  	_ =	shalt  }
0x63: {  	_ =	shalt  }
0x64: {  	_ =	shalt  }
0x65: {  	_ =	shalt  }
0x66: {  	_ =	shalt  }
0x67: {  	_ =	shalt  }
0x68: {  	_ =	shalt  }
0x69: {  	_ =	shalt  }
0x6a: {  	_ =	shalt  }
0x6b: {  	_ =	shalt  }
0x6c: {  	_ =	shalt  }
0x6d: {  	_ =	shalt  }
0x6e: {  	_ =	shalt  }
0x6f: {  	_ =	shalt  }
0x70: {  	_ =	shalt  }
0x71: {  	_ =	shalt  }
0x72: {  	_ =	shalt  }
0x73: {  	_ =	shalt  }
0x74: {  	_ =	shalt  }
0x75: {  	_ =	shalt  }
0x76: {  	_ =	shalt  }
0x77: {  	_ =	shalt  }
0x78: {  	_ =	shalt  }
0x79: {  	_ =	shalt  }
0x7a: {  	_ =	shalt  }
0x7b: {  	_ =	shalt  }
0x7c: {  	_ =	shalt  }
0x7d: {  	_ =	shalt  }
0x7e: {  	_ =	shalt  }
0x7f: {  	_ =	shalt  }
0x80: {  	_ =	shalt  }
0x81: {  	_ =	shalt  }
0x82: {  	_ =	shalt  }
0x83: {  	_ =	shalt  }
0x84: {  	_ =	shalt  }
0x85: {  	_ =	shalt  }
0x86: {  	_ =	shalt  }
0x87: {  	_ =	shalt  }
.Lfunc_end0:
.L_simem_size_0:
called_computation_lowered:
.L_overlay_start_0:
0x88: {  	s2 =	sld [smem:$0x3FD9]  }
0x89: {  	s3 =	sld [smem:$0x3FFE];
	_ =	sdelay $0x1  }
0x8a: {  	s1 =	srdreg.scid  }
0x8b: {  	s0 =	sand.u32 $0x1, s1  }
0x8c: {  	s16 =	sshll.u32 s0, $0xA;
	s2 =	sadd.s32 s3, s2  }
0x8d: {  	s2 =	sadd.s32 s2, s16  }
0x8e: {  	[smem:$0x3FC6] =	sst s2  }
0x8f: {  	_ = 	snop  }
0x90: {  	(tm) =	ssettm $0x1  }
0x91: {  	s17 =	sld [smem:$0x3FFB];
	_ =	sdelay $0x3  }
0x92: {  	_ =	strace s17  }
0x93: {  	s2 =	sld [smem:$0x3FFC];
	_ =	sdelay $0x3  }
0x94: {  	_ =	strace s2  }
0x95: {  	s2 =	sld [smem:$0x3FFD];
	_ =	sdelay $0x3  }
0x96: {  	_ =	strace s2  }
0x97: {  	_ =	strace $0x8FFFFFFF  }
0x98: {  	s18 =	sld [smem:$0x3FDB];
	_ =	sdelay $0x1  }
0x99: {  	s19 =	simm.s32 $_scs_section_size  }
0x9a: {  	s4 =	simm.s32 $_size__tile_overlayer_lowered;
	s5 =	simm.s32 $_tile_overlayer_lowered  }
0x9b: {  	s22 =	simm.s32 $0x1BFF;
	s21 =	sshll.u32 s5, $0x1;
	s2 =	sadd.s32 s19, s18  }
0x9c: {  	s6 =	simm.s32 $0x0;
	s20 =	sshll.u32 s4, $0x1;
	s4 =	sadd.s32 s21, s2  }
0x9d: {  	[timem:s6], [sflag:s22] =	dma.local [hbm:s4], s20  }
0x9e: {  	_ =	swait.ge [sflag:s22], s20  }
0x9f: {  	s3 =	ssub.s32 $0x0, s20;
	[sflag:s22] =	ssyncset.done $0x0  }
0xa0: {  	[sflag:s22] =	ssyncadd.s32 s3;
	_ =	sdelay $0x1  }
0xa1: {  	s23 =	simm.s32 $0x1B8B  }
0xa2: {  	_ =	swait.ge [sflag:s23], $0x1  }
0xa3: {  	[sflag:s23] =	ssyncset.done $0x0  }
0xa4: {  	s25 =	simm.s32 $0x1B8E;
	s24 =	sld [smem:$0x3FFE];
	[sflag:s23] =	ssyncadd.s32 $0xFFFFFFFF  }
0xa5: {  	s26 =	simm.s32 $execute0_lowered;
	[smem:$0x3FD2] =	sst s25  }
0xa6: {  	s4 =	sshll.u32 s26, $0x1;
	_ =	strace $0x80000046;
	[dreg:$0x1] =	wrdreg $0xFFFFFFFF  }
0xa7: {  	s28 =	simm.s32 $_size_execute0_lowered;
	s2 =	sadd.s32 s2, s4;
	[dreg:$0x0] =	wrdreg $0x0  }
0xa8: {  	s4 =	sshll.u32 s28, $0x1;
	[dreg:$0x2] =	wrdreg s2  }
0xa9: {  	[dreg:$0x3] =	wrdreg s4  }
0xaa: {  	[dreg:$0x4] =	wrdreg $0xC0  }
0xab: {  	_ =	task [dreg:s6], $0x5FFFF  }
0xac: {  	[dreg:$0x1] =	wrdreg $0xFFFFFFFF  }
0xad: {  	[dreg:$0x0] =	wrdreg $0x60  }
0xae: {  	[dreg:$0x2] =	wrdreg s24  }
0xaf: {  	[dreg:$0x3] =	wrdreg $0x0  }
0xb0: {  	[dreg:$0x4] =	wrdreg $0x9  }
0xb1: {  	_ =	task.clear_ibuf [dreg:s6], $0x5FFFF;
	_ =	strace $0x90000046  }
0xb2: {  	s29 =	simm.s32 $0x9;
	_ =	strace $0x80000048  }
0xb3: {  	_ =	swait.ge [sflag:s29], $0x1  }
0xb4: {  	[sflag:s29] =	ssyncadd.s32 $0xFFFFFFFF  }
0xb5: {  	_ =	strace $0x90000048  }
0xb6: {  	_ =	sfence  }
0xb7: {  	s30 =	sld [smem:$0x0];
	_ =	sdelay $0x2  }
0xb8: {  	s31 =	sshll.u32 s1, $0xD;
	s1 =	sshrl.u32 s1, $0x2  }
0xb9: {  	s3 =	sand.u32 $0x4000, s31;
	s1 =	sadd.s32 s1, s30  }
0xba: {  	s0 =	sor.u32 s3, s0;
	s1 =	sshll.u32 s1, $0x11  }
0xbb: {  	s0 =	sor.u32 s1, s0  }
0xbc: {  	s0 =	sadd.s32 $0x8F2B, s0  }
0xbd: {  	[sflag:s0] =	ssyncadd.remote.s32 $0x1  }
0xbe: {  	_ =	sfence.sel $0xFFFF  }
0xbf: {  	[dreg:$0x0] =	wrdreg $0xFFFFFFFF;
	(pc) =	sbr.abs _section_cstart, $3  }
0xc0: {  	[dreg:$0x1] =	wrdreg $0xFFFFFFFF  }
0xc1: {  	_ =	task.clear_ibuf [dreg:s6], $0x2FFFF;
	_ =	strace $0x9FFFFFFF  }
0xc2: {  	(tm) =	ssettm $0x7FFFFFFF  }
0xc3: {  	_ =	shalt  }
tec
execute0_lowered:
.L_overlay_start_1:
0x0: {  	(tag) =	ssettag $0x1  }
0x1: {  	s5 =	rddreg [dreg:$0x0]  }
0x2: {  	s1 =	rddreg [dreg:$0x1]  }
0x3: {  	s0 =	rddreg [dreg:$0x2];
	s2 =	simm.s32 $0x0;
	s3 =	srdreg.scid  }
0x4: {  	s23 =	stileid.u32;
	s11 =	simm.s32 $0x3;
	s12 =	simm.s32 $0x2788  }
0x5: {  	s13 =	simm.s32 $0x3788;
	s14 =	simm.s32 $0x5788;
	s15 =	simm.s32 $0x50  }
0x6: {  	s16 =	simm.s32 $0x4788;
	s17 =	simm.s32 $0x5808;
	s18 =	simm.s32 $0x4808  }
0x7: {  	s19 =	simm.s32 $0x8008;
	s20 =	simm.s32 $0x1;
	s21 =	simm.s32 $0x2  }
0x8: {  	s22 =	simm.s32 $0x5388;
	[smem:$0x7FF] =	sst s2;
	s7 =	sand.u32 $0x1, s3  }
0x9: {  	s8 =	smul.u32 $0x28, s23;
	s3 =	sadd.s32 $0x600, s5;
	s4 =	sadd.s32 $0x14600, s5  }
0xa: {  	p0 =	sne.s32 s23, $0x0;
	s6 =	smul.u32 $0x2780, s7;
	_ =	strace $0x80000047  }
0xb: {  	v0 =	vlaneseq.u32;
	s9 =	ssub.s32 $0x2, s7;
	s7 =	smul.u32 $0x5, s7;
	s31 =	smin.u32 s8, $0x249  }
0xc: {  	v1 =	vimm.f32 $0.0e+00;
	v2 =	vor.u32 $0x10, v0;
	s30 =	sshrl.u32 s9, $0x1;
	s10 =	sadd.s32 s6, s5;
	s6 =	sshll.u32 s31, $0x7  }
0xd: {  	v3 =	vor.u32 $0x20, v0;
	v4 =	vor.u32 $0x30, v0;
	v5 =	vor.u32 $0x40, v0;
	s9 =	ssub.s32 s9, s30;
	s5 =	smul.u32 $0xA000, s23;
	s6 =	sadd.s32 s6, s1  }
0xe: {  	v6 =	vor.u32 $0x50, v0;
	v7 =	vor.u32 $0x60, v0;
	v8 =	vor.u32 $0x70, v0;
	s8 =	sadd.s32 $0x28600, s10;
	s9 =	smax.u32 s9, $0x1;
	s10 =	simm.s32 $0x1388  }
.LBB2_1:
0xf: {  	s23 =	simm.s32 $0x0;
	s24 =	simm.s32 $0x200  }
.LBB2_2:
0x10: {  	p1 =	sne.s32 s24, $0x4E00;
	[tilespmem:s23+$0x13F8] =	vst v1  }
0x11: {  	[tilespmem:s23+$0x1388] =	vst v1  }
0x12: {  	[tilespmem:s23+$0x1398] =	vst v1  }
.Ltmp0:
0x13: {  	[tilespmem:s23+$0x13A8] =	vst v1;
	(pc) =	sbr.rel @p1 .LBB2_2-.Ltmp0, $4  }
0x14: {  	[tilespmem:s23+$0x13B8] =	vst v1  }
0x15: {  	[tilespmem:s23+$0x13C8] =	vst v1  }
0x16: {  	[tilespmem:s23+$0x13D8] =	vst v1  }
0x17: {  	[tilespmem:s23+$0x13E8] =	vst v1;
	s23 =	sshra.s32 s24, $0x2;
	s24 =	sadd.s32 $0x200, s24  }
0x18: {  	[tilespmem:s23+$0x13F8] =	vst v1  }
0x19: {  	[tilespmem:s23+$0x1388] =	vst v1  }
0x1a: {  	[tilespmem:s23+$0x1398] =	vst v1  }
0x1b: {  	[tilespmem:s23+$0x13A8] =	vst v1  }
0x1c: {  	[tilespmem:s23+$0x13B8] =	vst v1  }
0x1d: {  	[tilespmem:s23+$0x13C8] =	vst v1  }
0x1e: {  	[tilespmem:s23+$0x13D8] =	vst v1  }
0x1f: {  	[tilespmem:s23+$0x13E8] =	vst v1  }
0x20: {  	[spmem:s6] =	stream.linear.scatter [tilespmem:s10], [sflag:$0x3], $0x1400, $0x38;
	[tilespmem:$0xA808] =	vst v63  }
0x21: {  	_ =	swait.ge [sflag:s11], $0x1400  }
0x22: {  	[sflag:s11] =	ssyncset.done $0x0  }
0x23: {  	[sflag:s11] =	ssyncadd.s32 $0xFFFFEC00  }
0x24: {  	s23 =	simm.s32 $0x0;
	s24 =	simm.s32 $0x0;
	[bflag:$0x0] =	sbarrier.arrive $0xFFFF  }
.LBB2_4:
0x25: {  	s25 =	sadd.s32 s7, s24  }
0x26: {  	s25 =	sshll.u32 s25, $0xC  }
0x27: {  	s25 =	sadd.s32 s5, s25  }
0x28: {  	s25 =	sshrl.u32 s25, $0x3  }
0x29: {  	s26 =	sadd.s32 s3, s25  }
0x2a: {  	[tilespmem:s12], [sflag:$0x3] =	stream.linear.gather [hbm4b:s26+s23], $0xC80, $0x38;
	[tilespmem:$0xA808] =	vst v63  }
0x2b: {  	_ =	swait.ge [sflag:s11], $0xC80  }
0x2c: {  	[sflag:s11] =	ssyncset.done $0x0  }
0x2d: {  	s25 =	sadd.s32 s4, s25;
	[sflag:s11] =	ssyncadd.s32 $0xFFFFF380  }
0x2e: {  	[tilespmem:s13], [sflag:$0x3] =	stream.linear.gather [hbm4b:s25+s23], $0xC80, $0x38;
	[tilespmem:$0xA808] =	vst v63  }
0x2f: {  	_ =	swait.ge [sflag:s11], $0xC80  }
0x30: {  	[sflag:s11] =	ssyncset.done $0x0  }
0x31: {  	[sflag:s11] =	ssyncadd.s32 $0xFFFFF380  }
0x32: {  	v9 =	vld [tilespmem:$0x2788]  }
0x33: {  	v10 =	vld [tilespmem:$0x3788]  }
0x34: {  	v11 =	vld [tilespmem:$0x2798]  }
0x35: {  	v12 =	vld [tilespmem:$0x3798]  }
0x36: {  	v13 =	vld [tilespmem:$0x27A8]  }
0x37: {  	v14 =	vld [tilespmem:$0x37A8];
	v9 =	vmul.u32 $0x2710, v9  }
0x38: {  	v15 =	vld [tilespmem:$0x27B8]  }
0x39: {  	v17 =	vld [tilespmem:$0x27C8];
	v9 =	vadd.s32 v10, v9;
	v10 =	vmul.u32 $0x2710, v11  }
0x3a: {  	v11 =	vld [tilespmem:$0x37B8];
	v16 =	vshrl.u32 v9, $0x7  }
0x3b: {  	v9 =	vand.u32 $0x7F, v9;
	[tilespmem:$0x4788] =	vst v16;
	v10 =	vadd.s32 v12, v10;
	v12 =	vmul.u32 $0x2710, v13  }
0x3c: {  	[tilespmem:$0x5788] =	vst v9;
	v13 =	vld [tilespmem:$0x37C8];
	v9 =	vshrl.u32 v10, $0x7  }
0x3d: {  	v10 =	vand.u32 $0x7F, v10;
	[tilespmem:$0x4798] =	vst v9;
	v9 =	vadd.s32 v14, v12;
	v12 =	vmul.u32 $0x2710, v15  }
0x3e: {  	[tilespmem:$0x5798] =	vst v10;
	v10 =	vshrl.u32 v9, $0x7  }
0x3f: {  	v9 =	vand.u32 $0x7F, v9;
	[tilespmem:$0x47A8] =	vst v10;
	v10 =	vadd.s32 v11, v12;
	v11 =	vmul.u32 $0x2710, v17  }
0x40: {  	[tilespmem:$0x57A8] =	vst v9;
	v12 =	vmov s23;
	v9 =	vshrl.u32 v10, $0x7  }
0x41: {  	[tilespmem:$0x47B8] =	vst v9;
	v9 =	vand.u32 $0x7F, v10;
	v10 =	vadd.s32 v13, v11  }
0x42: {  	[tilespmem:$0x57B8] =	vst v9;
	v9 =	vshrl.u32 v10, $0x7  }
0x43: {  	[tilespmem:$0x47C8] =	vst v9;
	v9 =	vand.u32 $0x7F, v10  }
0x44: {  	[tilespmem:$0x57C8] =	vst v9  }
0x45: {  	v11 =	vld.idx.msk [tilespmem:v12+s14+$0x0], $0xffff;
	_ =	sdelay $0x4  }
0x46: {  	vm0 =	veq.s32 v11, v0;
	vm1 =	veq.s32 v11, v2  }
0x47: {  	s25 =	simm.s32 $0x5848;
	vm2 =	veq.s32 v11, v3;
	vm11 =	veq.s32 v11, v4;
	v9 =	vsel vm0, $0x3F800000, v1  }
0x48: {  	vm12 =	veq.s32 v11, v5;
	vm13 =	veq.s32 v11, v6;
	v10 =	vsel vm1, $0x3F800000, v1;
	[tilespmem:s25+$0xFFFFFFC0] =	vst v9  }
0x49: {  	s31 =	simm.s32 $0x1;
	vm14 =	veq.s32 v11, v7;
	vm15 =	veq.s32 v11, v8;
	v12 =	vsel vm2, $0x3F800000, v1;
	[tilespmem:s25+$0xFFFFFFD0] =	vst v10  }
0x4a: {  	v11 =	vmov s31;
	v13 =	vsel vm11, $0x3F800000, v1;
	v9 =	vsel vm12, $0x3F800000, v1;
	[tilespmem:s25+$0xFFFFFFE0] =	vst v12  }
0x4b: {  	s26 =	simm.s32 $0x2;
	v10 =	vsel vm13, $0x3F800000, v1;
	[tilespmem:s25+$0xFFFFFFF0] =	vst v13;
	v13 =	vsel vm14, $0x3F800000, v1;
	v12 =	vsel vm15, $0x3F800000, v1  }
.LBB2_5:
0x4c: {  	p1 =	sne.s32 s26, $0x4F;
	[tilespmem:s25+$0x0] =	vst v9  }
0x4d: {  	[tilespmem:s25+$0x10] =	vst v10  }
0x4e: {  	[tilespmem:s25+$0x20] =	vst v13  }
0x4f: {  	[tilespmem:s25+$0x30] =	vst v12  }
0x50: {  	v11 =	vld.idx.msk [tilespmem:v11+s14+$0x0], $0xffff;
	_ =	sdelay $0x5  }
0x51: {  	vm0 =	veq.s32 v11, v0;
	vm1 =	veq.s32 v11, v2;
	vm2 =	veq.s32 v11, v3  }
.Ltmp1:
0x52: {  	s25 =	sadd.s32 $0x80, s25;
	v9 =	vsel vm0, $0x3F800000, v1;
	v10 =	vsel vm1, $0x3F800000, v1;
	v12 =	vsel vm2, $0x3F800000, v1;
	(pc) =	sbr.rel @p1 .LBB2_5-.Ltmp1, $4  }
0x53: {  	vm0 =	veq.s32 v11, v4;
	vm1 =	veq.s32 v11, v5;
	vm2 =	veq.s32 v11, v6;
	[tilespmem:s25+$0xFFFFFFC0] =	vst v9  }
0x54: {  	v13 =	vsel vm0, $0x3F800000, v1;
	v9 =	vsel vm1, $0x3F800000, v1;
	[tilespmem:s25+$0xFFFFFFD0] =	vst v10;
	v10 =	vsel vm2, $0x3F800000, v1  }
0x55: {  	vm0 =	veq.s32 v11, v7;
	vm1 =	veq.s32 v11, v8;
	[tilespmem:s25+$0xFFFFFFE0] =	vst v12  }
0x56: {  	v11 =	vmov s26;
	s26 =	sadd.s32 $0x1, s26;
	v12 =	vsel vm1, $0x3F800000, v1;
	[tilespmem:s25+$0xFFFFFFF0] =	vst v13;
	v13 =	vsel vm0, $0x3F800000, v1  }
0x57: {  	[tilespmem:s25+$0x0] =	vst v9  }
0x58: {  	[tilespmem:s25+$0x10] =	vst v10  }
0x59: {  	[tilespmem:s25+$0x20] =	vst v13  }
0x5a: {  	[tilespmem:s25+$0x30] =	vst v12  }
0x5b: {  	v9 =	vld.idx.msk [tilespmem:v11+s14+$0x0], $0xffff;
	_ =	sdelay $0x4  }
0x5c: {  	vm0 =	veq.s32 v9, v0;
	vm1 =	veq.s32 v9, v2  }
0x5d: {  	s30 =	sadd.s32 $0x80, s25;
	vm15 =	veq.s32 v9, v3;
	vm4 =	veq.s32 v9, v4;
	v10 =	vsel vm0, $0x3F800000, v1  }
0x5e: {  	vm5 =	veq.s32 v9, v5;
	vm7 =	veq.s32 v9, v7;
	v11 =	vsel vm1, $0x3F800000, v1;
	[tilespmem:s30+$0xFFFFFFC0] =	vst v10  }
0x5f: {  	vm6 =	veq.s32 v9, v6;
	vm8 =	veq.s32 v9, v8;
	v9 =	vsel vm7, $0x3F800000, v1;
	[tilespmem:s30+$0xFFFFFFD0] =	vst v11  }
0x60: {  	v10 =	vsel vm15, $0x3F800000, v1;
	[tilespmem:s30+$0x20] =	vst v9  }
0x61: {  	v11 =	vsel vm4, $0x3F800000, v1;
	[tilespmem:s30+$0xFFFFFFE0] =	vst v10  }
0x62: {  	v10 =	vsel vm5, $0x3F800000, v1;
	[tilespmem:s30+$0xFFFFFFF0] =	vst v11  }
0x63: {  	v11 =	vsel vm6, $0x3F800000, v1;
	[tilespmem:s30+$0x0] =	vst v10  }
0x64: {  	[tilespmem:s30+$0x10] =	vst v11;
	v10 =	vsel vm8, $0x3F800000, v1  }
0x65: {  	[tilespmem:s30+$0x30] =	vst v10  }
0x66: {  	[spmem:s1] =	stream.indirect.scatter.add.f32 [tilespmem:s17], [sflag:$0x1], $0x80, s16, s15, $0xb8;
	[tilespmem:$0xA808] =	vst v63  }
0x67: {  	v9 =	vld [tilespmem:$0x2808]  }
0x68: {  	v10 =	vld [tilespmem:$0x3808]  }
0x69: {  	v11 =	vld [tilespmem:$0x2818]  }
0x6a: {  	v12 =	vld [tilespmem:$0x3818]  }
0x6b: {  	v13 =	vld [tilespmem:$0x2828]  }
0x6c: {  	v14 =	vld [tilespmem:$0x3828];
	v9 =	vmul.u32 $0x2710, v9  }
0x6d: {  	v15 =	vld [tilespmem:$0x2838]  }
0x6e: {  	v17 =	vld [tilespmem:$0x2848];
	v9 =	vadd.s32 v10, v9;
	v10 =	vmul.u32 $0x2710, v11  }
0x6f: {  	v11 =	vld [tilespmem:$0x3838];
	v16 =	vshrl.u32 v9, $0x7  }
0x70: {  	v9 =	vand.u32 $0x7F, v9;
	[tilespmem:$0x4808] =	vst v16;
	v10 =	vadd.s32 v12, v10;
	v12 =	vmul.u32 $0x2710, v13  }
0x71: {  	[tilespmem:$0x5788] =	vst v9;
	v13 =	vld [tilespmem:$0x3848];
	v9 =	vshrl.u32 v10, $0x7  }
0x72: {  	v10 =	vand.u32 $0x7F, v10;
	[tilespmem:$0x4818] =	vst v9;
	v9 =	vadd.s32 v14, v12;
	v12 =	vmul.u32 $0x2710, v15  }
0x73: {  	[tilespmem:$0x5798] =	vst v10;
	v10 =	vshrl.u32 v9, $0x7  }
0x74: {  	s31 =	simm.s32 $0x0;
	v9 =	vand.u32 $0x7F, v9;
	[tilespmem:$0x4828] =	vst v10;
	v10 =	vadd.s32 v11, v12;
	v11 =	vmul.u32 $0x2710, v17  }
0x75: {  	[tilespmem:$0x57A8] =	vst v9;
	v12 =	vmov s31;
	v9 =	vshrl.u32 v10, $0x7  }
0x76: {  	[tilespmem:$0x4838] =	vst v9;
	v9 =	vand.u32 $0x7F, v10;
	v10 =	vadd.s32 v13, v11  }
0x77: {  	[tilespmem:$0x57B8] =	vst v9;
	v9 =	vshrl.u32 v10, $0x7  }
0x78: {  	[tilespmem:$0x4848] =	vst v9;
	v9 =	vand.u32 $0x7F, v10  }
0x79: {  	[tilespmem:$0x57C8] =	vst v9  }
0x7a: {  	v11 =	vld.idx.msk [tilespmem:v12+s14+$0x0], $0xffff;
	_ =	sdelay $0x4  }
0x7b: {  	vm9 =	veq.s32 v11, v0;
	vm10 =	veq.s32 v11, v2  }
0x7c: {  	s25 =	simm.s32 $0x8048;
	vm2 =	veq.s32 v11, v3;
	vm11 =	veq.s32 v11, v4;
	v9 =	vsel vm9, $0x3F800000, v1  }
0x7d: {  	vm12 =	veq.s32 v11, v5;
	vm13 =	veq.s32 v11, v6;
	v10 =	vsel vm10, $0x3F800000, v1;
	[tilespmem:s25+$0xFFFFFFC0] =	vst v9  }
0x7e: {  	s26 =	simm.s32 $0x1;
	vm14 =	veq.s32 v11, v7;
	vm15 =	veq.s32 v11, v8;
	v12 =	vsel vm2, $0x3F800000, v1;
	[tilespmem:s25+$0xFFFFFFD0] =	vst v10  }
0x7f: {  	v11 =	vmov s26;
	v13 =	vsel vm11, $0x3F800000, v1;
	v9 =	vsel vm12, $0x3F800000, v1;
	[tilespmem:s25+$0xFFFFFFE0] =	vst v12  }
0x80: {  	s26 =	simm.s32 $0x2;
	v10 =	vsel vm13, $0x3F800000, v1;
	[tilespmem:s25+$0xFFFFFFF0] =	vst v13;
	v13 =	vsel vm14, $0x3F800000, v1;
	v12 =	vsel vm15, $0x3F800000, v1  }
.LBB2_7:
0x81: {  	p1 =	sne.s32 s26, $0x4F;
	[tilespmem:s25+$0x0] =	vst v9  }
0x82: {  	[tilespmem:s25+$0x10] =	vst v10  }
0x83: {  	[tilespmem:s25+$0x20] =	vst v13  }
0x84: {  	[tilespmem:s25+$0x30] =	vst v12  }
0x85: {  	v11 =	vld.idx.msk [tilespmem:v11+s14+$0x0], $0xffff;
	_ =	sdelay $0x5  }
0x86: {  	vm0 =	veq.s32 v11, v0;
	vm1 =	veq.s32 v11, v2;
	vm2 =	veq.s32 v11, v3  }
.Ltmp2:
0x87: {  	s25 =	sadd.s32 $0x80, s25;
	v9 =	vsel vm0, $0x3F800000, v1;
	v10 =	vsel vm1, $0x3F800000, v1;
	v12 =	vsel vm2, $0x3F800000, v1;
	(pc) =	sbr.rel @p1 .LBB2_7-.Ltmp2, $4  }
0x88: {  	vm0 =	veq.s32 v11, v4;
	vm1 =	veq.s32 v11, v5;
	vm2 =	veq.s32 v11, v6;
	[tilespmem:s25+$0xFFFFFFC0] =	vst v9  }
0x89: {  	v13 =	vsel vm0, $0x3F800000, v1;
	v9 =	vsel vm1, $0x3F800000, v1;
	[tilespmem:s25+$0xFFFFFFD0] =	vst v10;
	v10 =	vsel vm2, $0x3F800000, v1  }
0x8a: {  	vm0 =	veq.s32 v11, v7;
	vm1 =	veq.s32 v11, v8;
	[tilespmem:s25+$0xFFFFFFE0] =	vst v12  }
0x8b: {  	v11 =	vmov s26;
	s26 =	sadd.s32 $0x1, s26;
	v12 =	vsel vm1, $0x3F800000, v1;
	[tilespmem:s25+$0xFFFFFFF0] =	vst v13;
	v13 =	vsel vm0, $0x3F800000, v1  }
0x8c: {  	[tilespmem:s25+$0x0] =	vst v9  }
0x8d: {  	[tilespmem:s25+$0x10] =	vst v10  }
0x8e: {  	[tilespmem:s25+$0x20] =	vst v13  }
0x8f: {  	[tilespmem:s25+$0x30] =	vst v12  }
0x90: {  	v9 =	vld.idx.msk [tilespmem:v11+s14+$0x0], $0xffff;
	_ =	sdelay $0x4  }
0x91: {  	vm0 =	veq.s32 v9, v0;
	vm1 =	veq.s32 v9, v2  }
0x92: {  	s31 =	sadd.s32 $0x80, s25;
	vm10 =	veq.s32 v9, v3;
	vm11 =	veq.s32 v9, v4;
	v10 =	vsel vm0, $0x3F800000, v1  }
0x93: {  	vm12 =	veq.s32 v9, v5;
	vm14 =	veq.s32 v9, v7;
	v11 =	vsel vm1, $0x3F800000, v1;
	[tilespmem:s31+$0xFFFFFFC0] =	vst v10  }
0x94: {  	vm13 =	veq.s32 v9, v6;
	vm15 =	veq.s32 v9, v8;
	v9 =	vsel vm14, $0x3F800000, v1;
	[tilespmem:s31+$0xFFFFFFD0] =	vst v11  }
0x95: {  	v10 =	vsel vm10, $0x3F800000, v1;
	[tilespmem:s31+$0x20] =	vst v9  }
0x96: {  	v11 =	vsel vm11, $0x3F800000, v1;
	[tilespmem:s31+$0xFFFFFFE0] =	vst v10  }
0x97: {  	v10 =	vsel vm12, $0x3F800000, v1;
	[tilespmem:s31+$0xFFFFFFF0] =	vst v11  }
0x98: {  	v11 =	vsel vm13, $0x3F800000, v1;
	[tilespmem:s31+$0x0] =	vst v10  }
0x99: {  	[tilespmem:s31+$0x10] =	vst v11;
	v10 =	vsel vm15, $0x3F800000, v1  }
0x9a: {  	s25 =	simm.s32 $0x0;
	s26 =	simm.s32 $0x0;
	[tilespmem:s31+$0x30] =	vst v10  }
0x9b: {  	[spmem:s1] =	stream.indirect.scatter.add.f32 [tilespmem:s19], [sflag:$0x2], $0x80, s18, s15, $0xb8;
	[tilespmem:$0xA808] =	vst v63  }
.LBB2_9:
0x9c: {  	_ =	swait.ge [sflag:s20], $0x2800  }
0x9d: {  	[sflag:s20] =	ssyncset.done $0x0  }
0x9e: {  	s28 =	sshll.u32 s26, $0x8;
	[sflag:s20] =	ssyncadd.s32 $0xFFFFD800  }
0x9f: {  	v9 =	vld [tilespmem:s28+$0x2888];
	_ =	sdelay $0x1  }
0xa0: {  	v10 =	vld [tilespmem:s28+$0x3888];
	_ =	sdelay $0x2  }
0xa1: {  	v9 =	vmul.u32 $0x2710, v9;
	_ =	sdelay $0x1  }
0xa2: {  	v9 =	vadd.s32 v10, v9  }
0xa3: {  	v10 =	vshrl.u32 v9, $0x7  }
0xa4: {  	v9 =	vand.u32 $0x7F, v9;
	[tilespmem:s28+$0x4888] =	vst v10  }
0xa5: {  	[tilespmem:$0x5788] =	vst v9  }
0xa6: {  	v9 =	vld [tilespmem:s28+$0x2898];
	_ =	sdelay $0x1  }
0xa7: {  	v10 =	vld [tilespmem:s28+$0x3898];
	_ =	sdelay $0x2  }
0xa8: {  	v9 =	vmul.u32 $0x2710, v9;
	_ =	sdelay $0x1  }
0xa9: {  	v9 =	vadd.s32 v10, v9  }
0xaa: {  	v10 =	vshrl.u32 v9, $0x7  }
0xab: {  	v9 =	vand.u32 $0x7F, v9;
	[tilespmem:s28+$0x4898] =	vst v10  }
0xac: {  	[tilespmem:$0x5798] =	vst v9  }
0xad: {  	v9 =	vld [tilespmem:s28+$0x28A8];
	_ =	sdelay $0x1  }
0xae: {  	v10 =	vld [tilespmem:s28+$0x38A8];
	_ =	sdelay $0x2  }
0xaf: {  	v9 =	vmul.u32 $0x2710, v9;
	_ =	sdelay $0x1  }
0xb0: {  	v9 =	vadd.s32 v10, v9  }
0xb1: {  	v10 =	vshrl.u32 v9, $0x7  }
0xb2: {  	v9 =	vand.u32 $0x7F, v9;
	[tilespmem:s28+$0x48A8] =	vst v10  }
0xb3: {  	[tilespmem:$0x57A8] =	vst v9  }
0xb4: {  	v9 =	vld [tilespmem:s28+$0x28B8];
	_ =	sdelay $0x1  }
0xb5: {  	v10 =	vld [tilespmem:s28+$0x38B8];
	_ =	sdelay $0x2  }
0xb6: {  	v9 =	vmul.u32 $0x2710, v9;
	_ =	sdelay $0x1  }
0xb7: {  	v9 =	vadd.s32 v10, v9  }
0xb8: {  	v10 =	vshrl.u32 v9, $0x7  }
0xb9: {  	v9 =	vand.u32 $0x7F, v9;
	[tilespmem:s28+$0x48B8] =	vst v10  }
0xba: {  	[tilespmem:$0x57B8] =	vst v9  }
0xbb: {  	v9 =	vld [tilespmem:s28+$0x28C8];
	_ =	sdelay $0x1  }
0xbc: {  	v10 =	vld [tilespmem:s28+$0x38C8];
	_ =	sdelay $0x2  }
0xbd: {  	v9 =	vmul.u32 $0x2710, v9  }
0xbe: {  	v11 =	vmov s25  }
0xbf: {  	v9 =	vadd.s32 v10, v9  }
0xc0: {  	v10 =	vshrl.u32 v9, $0x7  }
0xc1: {  	v9 =	vand.u32 $0x7F, v9;
	[tilespmem:s28+$0x48C8] =	vst v10  }
0xc2: {  	[tilespmem:$0x57C8] =	vst v9  }
0xc3: {  	v11 =	vld.idx.msk [tilespmem:v11+s14+$0x0], $0xffff;
	_ =	sdelay $0x4  }
0xc4: {  	vm0 =	veq.s32 v11, v0;
	vm1 =	veq.s32 v11, v2  }
0xc5: {  	s30 =	simm.s32 $0x5848;
	vm2 =	veq.s32 v11, v3;
	vm11 =	veq.s32 v11, v4;
	v9 =	vsel vm0, $0x3F800000, v1  }
0xc6: {  	vm12 =	veq.s32 v11, v5;
	vm13 =	veq.s32 v11, v6;
	v10 =	vsel vm1, $0x3F800000, v1;
	[tilespmem:s30+$0xFFFFFFC0] =	vst v9  }
0xc7: {  	s31 =	simm.s32 $0x1;
	vm14 =	veq.s32 v11, v7;
	vm15 =	veq.s32 v11, v8;
	v12 =	vsel vm2, $0x3F800000, v1;
	[tilespmem:s30+$0xFFFFFFD0] =	vst v10  }
0xc8: {  	v11 =	vmov s31;
	v13 =	vsel vm11, $0x3F800000, v1;
	v9 =	vsel vm12, $0x3F800000, v1;
	[tilespmem:s30+$0xFFFFFFE0] =	vst v12  }
0xc9: {  	s29 =	sadd.s32 $0x4888, s28;
	s31 =	simm.s32 $0x2;
	v10 =	vsel vm13, $0x3F800000, v1;
	[tilespmem:s30+$0xFFFFFFF0] =	vst v13;
	v13 =	vsel vm14, $0x3F800000, v1;
	v12 =	vsel vm15, $0x3F800000, v1  }
.LBB2_10:
0xca: {  	p1 =	sne.s32 s31, $0x4F;
	[tilespmem:s30+$0x0] =	vst v9  }
0xcb: {  	[tilespmem:s30+$0x10] =	vst v10  }
0xcc: {  	[tilespmem:s30+$0x20] =	vst v13  }
0xcd: {  	[tilespmem:s30+$0x30] =	vst v12  }
0xce: {  	v11 =	vld.idx.msk [tilespmem:v11+s14+$0x0], $0xffff;
	_ =	sdelay $0x5  }
0xcf: {  	vm0 =	veq.s32 v11, v0;
	vm1 =	veq.s32 v11, v2;
	vm2 =	veq.s32 v11, v3  }
.Ltmp3:
0xd0: {  	s30 =	sadd.s32 $0x80, s30;
	v9 =	vsel vm0, $0x3F800000, v1;
	v10 =	vsel vm1, $0x3F800000, v1;
	v12 =	vsel vm2, $0x3F800000, v1;
	(pc) =	sbr.rel @p1 .LBB2_10-.Ltmp3, $4  }
0xd1: {  	vm0 =	veq.s32 v11, v4;
	vm1 =	veq.s32 v11, v5;
	vm2 =	veq.s32 v11, v6;
	[tilespmem:s30+$0xFFFFFFC0] =	vst v9  }
0xd2: {  	v13 =	vsel vm0, $0x3F800000, v1;
	v9 =	vsel vm1, $0x3F800000, v1;
	[tilespmem:s30+$0xFFFFFFD0] =	vst v10;
	v10 =	vsel vm2, $0x3F800000, v1  }
0xd3: {  	vm0 =	veq.s32 v11, v7;
	vm1 =	veq.s32 v11, v8;
	[tilespmem:s30+$0xFFFFFFE0] =	vst v12  }
0xd4: {  	v11 =	vmov s31;
	s31 =	sadd.s32 $0x1, s31;
	v12 =	vsel vm1, $0x3F800000, v1;
	[tilespmem:s30+$0xFFFFFFF0] =	vst v13;
	v13 =	vsel vm0, $0x3F800000, v1  }
0xd5: {  	[tilespmem:s30+$0x0] =	vst v9  }
0xd6: {  	[tilespmem:s30+$0x10] =	vst v10  }
0xd7: {  	[tilespmem:s30+$0x20] =	vst v13  }
0xd8: {  	[tilespmem:s30+$0x30] =	vst v12  }
0xd9: {  	v9 =	vld.idx.msk [tilespmem:v11+s14+$0x0], $0xffff;
	_ =	sdelay $0x4  }
0xda: {  	vm0 =	veq.s32 v9, v0;
	vm1 =	veq.s32 v9, v2  }
0xdb: {  	s30 =	sadd.s32 $0x80, s30;
	vm15 =	veq.s32 v9, v3;
	vm4 =	veq.s32 v9, v4;
	v10 =	vsel vm0, $0x3F800000, v1  }
0xdc: {  	vm5 =	veq.s32 v9, v5;
	vm7 =	veq.s32 v9, v7;
	v11 =	vsel vm1, $0x3F800000, v1;
	[tilespmem:s30+$0xFFFFFFC0] =	vst v10  }
0xdd: {  	vm6 =	veq.s32 v9, v6;
	vm8 =	veq.s32 v9, v8;
	v9 =	vsel vm7, $0x3F800000, v1;
	[tilespmem:s30+$0xFFFFFFD0] =	vst v11  }
0xde: {  	v10 =	vsel vm15, $0x3F800000, v1;
	[tilespmem:s30+$0x20] =	vst v9  }
0xdf: {  	v11 =	vsel vm4, $0x3F800000, v1;
	[tilespmem:s30+$0xFFFFFFE0] =	vst v10  }
0xe0: {  	v10 =	vsel vm5, $0x3F800000, v1;
	[tilespmem:s30+$0xFFFFFFF0] =	vst v11  }
0xe1: {  	v11 =	vsel vm6, $0x3F800000, v1;
	[tilespmem:s30+$0x0] =	vst v10  }
0xe2: {  	[tilespmem:s30+$0x10] =	vst v11;
	v10 =	vsel vm8, $0x3F800000, v1  }
0xe3: {  	[tilespmem:s30+$0x30] =	vst v10  }
0xe4: {  	[spmem:s1] =	stream.indirect.scatter.add.f32 [tilespmem:s17], [sflag:$0x1], $0x80, s29, s15, $0xb8;
	[tilespmem:$0xA808] =	vst v63  }
0xe5: {  	_ =	swait.ge [sflag:s21], $0x2800  }
0xe6: {  	[sflag:s21] =	ssyncset.done $0x0  }
0xe7: {  	[sflag:s21] =	ssyncadd.s32 $0xFFFFD800  }
0xe8: {  	v9 =	vld [tilespmem:s28+$0x2908];
	_ =	sdelay $0x1  }
0xe9: {  	v10 =	vld [tilespmem:s28+$0x3908];
	_ =	sdelay $0x2  }
0xea: {  	v9 =	vmul.u32 $0x2710, v9;
	_ =	sdelay $0x1  }
0xeb: {  	v9 =	vadd.s32 v10, v9  }
0xec: {  	v10 =	vshrl.u32 v9, $0x7  }
0xed: {  	v9 =	vand.u32 $0x7F, v9;
	[tilespmem:s28+$0x4908] =	vst v10  }
0xee: {  	[tilespmem:$0x5788] =	vst v9  }
0xef: {  	v9 =	vld [tilespmem:s28+$0x2918];
	_ =	sdelay $0x1  }
0xf0: {  	v10 =	vld [tilespmem:s28+$0x3918];
	_ =	sdelay $0x2  }
0xf1: {  	v9 =	vmul.u32 $0x2710, v9;
	_ =	sdelay $0x1  }
0xf2: {  	v9 =	vadd.s32 v10, v9  }
0xf3: {  	v10 =	vshrl.u32 v9, $0x7  }
0xf4: {  	v9 =	vand.u32 $0x7F, v9;
	[tilespmem:s28+$0x4918] =	vst v10  }
0xf5: {  	[tilespmem:$0x5798] =	vst v9  }
0xf6: {  	v9 =	vld [tilespmem:s28+$0x2928];
	_ =	sdelay $0x1  }
0xf7: {  	v10 =	vld [tilespmem:s28+$0x3928];
	_ =	sdelay $0x2  }
0xf8: {  	v9 =	vmul.u32 $0x2710, v9;
	_ =	sdelay $0x1  }
0xf9: {  	v9 =	vadd.s32 v10, v9  }
0xfa: {  	v10 =	vshrl.u32 v9, $0x7  }
0xfb: {  	v9 =	vand.u32 $0x7F, v9;
	[tilespmem:s28+$0x4928] =	vst v10  }
0xfc: {  	[tilespmem:$0x57A8] =	vst v9  }
0xfd: {  	v9 =	vld [tilespmem:s28+$0x2938];
	_ =	sdelay $0x1  }
0xfe: {  	v10 =	vld [tilespmem:s28+$0x3938];
	_ =	sdelay $0x2  }
0xff: {  	v9 =	vmul.u32 $0x2710, v9;
	_ =	sdelay $0x1  }
0x100: {  	v9 =	vadd.s32 v10, v9  }
0x101: {  	v10 =	vshrl.u32 v9, $0x7  }
0x102: {  	v9 =	vand.u32 $0x7F, v9;
	[tilespmem:s28+$0x4938] =	vst v10  }
0x103: {  	[tilespmem:$0x57B8] =	vst v9  }
0x104: {  	v9 =	vld [tilespmem:s28+$0x2948];
	_ =	sdelay $0x1  }
0x105: {  	v10 =	vld [tilespmem:s28+$0x3948];
	_ =	sdelay $0x2  }
0x106: {  	s29 =	simm.s32 $0x0;
	v9 =	vmul.u32 $0x2710, v9  }
0x107: {  	v11 =	vmov s29  }
0x108: {  	v9 =	vadd.s32 v10, v9  }
0x109: {  	v10 =	vshrl.u32 v9, $0x7  }
0x10a: {  	v9 =	vand.u32 $0x7F, v9;
	[tilespmem:s28+$0x4948] =	vst v10  }
0x10b: {  	[tilespmem:$0x57C8] =	vst v9  }
0x10c: {  	v11 =	vld.idx.msk [tilespmem:v11+s14+$0x0], $0xffff;
	_ =	sdelay $0x4  }
0x10d: {  	vm9 =	veq.s32 v11, v0;
	vm10 =	veq.s32 v11, v2  }
0x10e: {  	s29 =	simm.s32 $0x8048;
	vm2 =	veq.s32 v11, v3;
	vm11 =	veq.s32 v11, v4;
	v9 =	vsel vm9, $0x3F800000, v1  }
0x10f: {  	vm12 =	veq.s32 v11, v5;
	vm13 =	veq.s32 v11, v6;
	v10 =	vsel vm10, $0x3F800000, v1;
	[tilespmem:s29+$0xFFFFFFC0] =	vst v9  }
0x110: {  	s30 =	simm.s32 $0x1;
	vm14 =	veq.s32 v11, v7;
	vm15 =	veq.s32 v11, v8;
	v12 =	vsel vm2, $0x3F800000, v1;
	[tilespmem:s29+$0xFFFFFFD0] =	vst v10  }
0x111: {  	v11 =	vmov s30;
	v13 =	vsel vm11, $0x3F800000, v1;
	v9 =	vsel vm12, $0x3F800000, v1;
	[tilespmem:s29+$0xFFFFFFE0] =	vst v12  }
0x112: {  	s28 =	sadd.s32 $0x4908, s28;
	s30 =	simm.s32 $0x2;
	v10 =	vsel vm13, $0x3F800000, v1;
	[tilespmem:s29+$0xFFFFFFF0] =	vst v13;
	v13 =	vsel vm14, $0x3F800000, v1;
	v12 =	vsel vm15, $0x3F800000, v1  }
.LBB2_12:
0x113: {  	p1 =	sne.s32 s30, $0x4F;
	[tilespmem:s29+$0x0] =	vst v9  }
0x114: {  	[tilespmem:s29+$0x10] =	vst v10  }
0x115: {  	[tilespmem:s29+$0x20] =	vst v13  }
0x116: {  	[tilespmem:s29+$0x30] =	vst v12  }
0x117: {  	v11 =	vld.idx.msk [tilespmem:v11+s14+$0x0], $0xffff;
	_ =	sdelay $0x5  }
0x118: {  	vm0 =	veq.s32 v11, v0;
	vm1 =	veq.s32 v11, v2;
	vm2 =	veq.s32 v11, v3  }
.Ltmp4:
0x119: {  	s29 =	sadd.s32 $0x80, s29;
	v9 =	vsel vm0, $0x3F800000, v1;
	v10 =	vsel vm1, $0x3F800000, v1;
	v12 =	vsel vm2, $0x3F800000, v1;
	(pc) =	sbr.rel @p1 .LBB2_12-.Ltmp4, $4  }
0x11a: {  	vm0 =	veq.s32 v11, v4;
	vm1 =	veq.s32 v11, v5;
	vm2 =	veq.s32 v11, v6;
	[tilespmem:s29+$0xFFFFFFC0] =	vst v9  }
0x11b: {  	v13 =	vsel vm0, $0x3F800000, v1;
	v9 =	vsel vm1, $0x3F800000, v1;
	[tilespmem:s29+$0xFFFFFFD0] =	vst v10;
	v10 =	vsel vm2, $0x3F800000, v1  }
0x11c: {  	vm0 =	veq.s32 v11, v7;
	vm1 =	veq.s32 v11, v8;
	[tilespmem:s29+$0xFFFFFFE0] =	vst v12  }
0x11d: {  	v11 =	vmov s30;
	s30 =	sadd.s32 $0x1, s30;
	v12 =	vsel vm1, $0x3F800000, v1;
	[tilespmem:s29+$0xFFFFFFF0] =	vst v13;
	v13 =	vsel vm0, $0x3F800000, v1  }
0x11e: {  	[tilespmem:s29+$0x0] =	vst v9  }
0x11f: {  	[tilespmem:s29+$0x10] =	vst v10  }
0x120: {  	[tilespmem:s29+$0x20] =	vst v13  }
0x121: {  	[tilespmem:s29+$0x30] =	vst v12  }
0x122: {  	v9 =	vld.idx.msk [tilespmem:v11+s14+$0x0], $0xffff;
	_ =	sdelay $0x4  }
0x123: {  	vm0 =	veq.s32 v9, v0;
	vm1 =	veq.s32 v9, v2  }
0x124: {  	s31 =	sadd.s32 $0x80, s29;
	vm10 =	veq.s32 v9, v3;
	vm11 =	veq.s32 v9, v4;
	v10 =	vsel vm0, $0x3F800000, v1  }
0x125: {  	vm12 =	veq.s32 v9, v5;
	vm14 =	veq.s32 v9, v7;
	v11 =	vsel vm1, $0x3F800000, v1;
	[tilespmem:s31+$0xFFFFFFC0] =	vst v10  }
0x126: {  	vm13 =	veq.s32 v9, v6;
	vm15 =	veq.s32 v9, v8;
	v9 =	vsel vm14, $0x3F800000, v1;
	[tilespmem:s31+$0xFFFFFFD0] =	vst v11  }
0x127: {  	s26 =	sadd.s32 $0x1, s26;
	v10 =	vsel vm10, $0x3F800000, v1;
	[tilespmem:s31+$0x20] =	vst v9  }
0x128: {  	p1 =	sne.s32 s26, $0xB;
	v11 =	vsel vm11, $0x3F800000, v1;
	[tilespmem:s31+$0xFFFFFFE0] =	vst v10  }
.Ltmp5:
0x129: {  	v10 =	vsel vm12, $0x3F800000, v1;
	[tilespmem:s31+$0xFFFFFFF0] =	vst v11;
	(pc) =	sbr.rel @p1 .LBB2_9-.Ltmp5, $4  }
0x12a: {  	v11 =	vsel vm13, $0x3F800000, v1;
	[tilespmem:s31+$0x0] =	vst v10  }
0x12b: {  	[tilespmem:s31+$0x10] =	vst v11;
	v10 =	vsel vm15, $0x3F800000, v1  }
0x12c: {  	[tilespmem:s31+$0x30] =	vst v10  }
0x12d: {  	[spmem:s1] =	stream.indirect.scatter.add.f32 [tilespmem:s19], [sflag:$0x2], $0x80, s28, s15, $0xb8;
	[tilespmem:$0xA808] =	vst v63  }
0x12e: {  	_ =	swait.ge [sflag:s20], $0x2800  }
0x12f: {  	[sflag:s20] =	ssyncset.done $0x0  }
0x130: {  	[sflag:s20] =	ssyncadd.s32 $0xFFFFD800  }
0x131: {  	v9 =	vld [tilespmem:$0x3388]  }
0x132: {  	v10 =	vld [tilespmem:$0x4388]  }
0x133: {  	v11 =	vld [tilespmem:$0x3398]  }
0x134: {  	v12 =	vld [tilespmem:$0x4398]  }
0x135: {  	v13 =	vld [tilespmem:$0x33A8]  }
0x136: {  	v14 =	vld [tilespmem:$0x43A8];
	v9 =	vmul.u32 $0x2710, v9  }
0x137: {  	v15 =	vld [tilespmem:$0x33B8]  }
0x138: {  	v17 =	vld [tilespmem:$0x33C8];
	v9 =	vadd.s32 v10, v9;
	v10 =	vmul.u32 $0x2710, v11  }
0x139: {  	v11 =	vld [tilespmem:$0x43B8];
	v16 =	vshrl.u32 v9, $0x7  }
0x13a: {  	v9 =	vand.u32 $0x7F, v9;
	[tilespmem:$0x5388] =	vst v16;
	v10 =	vadd.s32 v12, v10;
	v12 =	vmul.u32 $0x2710, v13  }
0x13b: {  	[tilespmem:$0x5788] =	vst v9;
	v13 =	vld [tilespmem:$0x43C8];
	v9 =	vshrl.u32 v10, $0x7  }
0x13c: {  	v10 =	vand.u32 $0x7F, v10;
	[tilespmem:$0x5398] =	vst v9;
	v9 =	vadd.s32 v14, v12;
	v12 =	vmul.u32 $0x2710, v15  }
0x13d: {  	[tilespmem:$0x5798] =	vst v10;
	v10 =	vshrl.u32 v9, $0x7  }
0x13e: {  	s25 =	simm.s32 $0x0;
	v9 =	vand.u32 $0x7F, v9;
	[tilespmem:$0x53A8] =	vst v10;
	v10 =	vadd.s32 v11, v12;
	v11 =	vmul.u32 $0x2710, v17  }
0x13f: {  	[tilespmem:$0x57A8] =	vst v9;
	v12 =	vmov s25;
	v9 =	vshrl.u32 v10, $0x7  }
0x140: {  	[tilespmem:$0x53B8] =	vst v9;
	v9 =	vand.u32 $0x7F, v10;
	v10 =	vadd.s32 v13, v11  }
0x141: {  	[tilespmem:$0x57B8] =	vst v9;
	v9 =	vshrl.u32 v10, $0x7  }
0x142: {  	[tilespmem:$0x53C8] =	vst v9;
	v9 =	vand.u32 $0x7F, v10  }
0x143: {  	[tilespmem:$0x57C8] =	vst v9  }
0x144: {  	v11 =	vld.idx.msk [tilespmem:v12+s14+$0x0], $0xffff;
	_ =	sdelay $0x4  }
0x145: {  	vm0 =	veq.s32 v11, v0;
	vm1 =	veq.s32 v11, v2  }
0x146: {  	s25 =	simm.s32 $0x5848;
	vm2 =	veq.s32 v11, v3;
	vm11 =	veq.s32 v11, v4;
	v9 =	vsel vm0, $0x3F800000, v1  }
0x147: {  	vm12 =	veq.s32 v11, v5;
	vm13 =	veq.s32 v11, v6;
	v10 =	vsel vm1, $0x3F800000, v1;
	[tilespmem:s25+$0xFFFFFFC0] =	vst v9  }
0x148: {  	s26 =	simm.s32 $0x1;
	vm14 =	veq.s32 v11, v7;
	vm15 =	veq.s32 v11, v8;
	v12 =	vsel vm2, $0x3F800000, v1;
	[tilespmem:s25+$0xFFFFFFD0] =	vst v10  }
0x149: {  	v11 =	vmov s26;
	v13 =	vsel vm11, $0x3F800000, v1;
	v9 =	vsel vm12, $0x3F800000, v1;
	[tilespmem:s25+$0xFFFFFFE0] =	vst v12  }
0x14a: {  	s26 =	simm.s32 $0x2;
	v10 =	vsel vm13, $0x3F800000, v1;
	[tilespmem:s25+$0xFFFFFFF0] =	vst v13;
	v13 =	vsel vm14, $0x3F800000, v1;
	v12 =	vsel vm15, $0x3F800000, v1  }
.LBB2_15:
0x14b: {  	p1 =	sne.s32 s26, $0x4F;
	[tilespmem:s25+$0x0] =	vst v9  }
0x14c: {  	[tilespmem:s25+$0x10] =	vst v10  }
0x14d: {  	[tilespmem:s25+$0x20] =	vst v13  }
0x14e: {  	[tilespmem:s25+$0x30] =	vst v12  }
0x14f: {  	v11 =	vld.idx.msk [tilespmem:v11+s14+$0x0], $0xffff;
	_ =	sdelay $0x5  }
0x150: {  	vm0 =	veq.s32 v11, v0;
	vm1 =	veq.s32 v11, v2;
	vm2 =	veq.s32 v11, v3  }
.Ltmp6:
0x151: {  	s25 =	sadd.s32 $0x80, s25;
	v9 =	vsel vm0, $0x3F800000, v1;
	v10 =	vsel vm1, $0x3F800000, v1;
	v12 =	vsel vm2, $0x3F800000, v1;
	(pc) =	sbr.rel @p1 .LBB2_15-.Ltmp6, $4  }
0x152: {  	vm0 =	veq.s32 v11, v4;
	vm1 =	veq.s32 v11, v5;
	vm2 =	veq.s32 v11, v6;
	[tilespmem:s25+$0xFFFFFFC0] =	vst v9  }
0x153: {  	v13 =	vsel vm0, $0x3F800000, v1;
	v9 =	vsel vm1, $0x3F800000, v1;
	[tilespmem:s25+$0xFFFFFFD0] =	vst v10;
	v10 =	vsel vm2, $0x3F800000, v1  }
0x154: {  	vm0 =	veq.s32 v11, v7;
	vm1 =	veq.s32 v11, v8;
	[tilespmem:s25+$0xFFFFFFE0] =	vst v12  }
0x155: {  	v11 =	vmov s26;
	s26 =	sadd.s32 $0x1, s26;
	v12 =	vsel vm1, $0x3F800000, v1;
	[tilespmem:s25+$0xFFFFFFF0] =	vst v13;
	v13 =	vsel vm0, $0x3F800000, v1  }
0x156: {  	[tilespmem:s25+$0x0] =	vst v9  }
0x157: {  	[tilespmem:s25+$0x10] =	vst v10  }
0x158: {  	[tilespmem:s25+$0x20] =	vst v13  }
0x159: {  	[tilespmem:s25+$0x30] =	vst v12  }
0x15a: {  	v9 =	vld.idx.msk [tilespmem:v11+s14+$0x0], $0xffff;
	_ =	sdelay $0x4  }
0x15b: {  	vm0 =	veq.s32 v9, v0;
	vm1 =	veq.s32 v9, v2  }
0x15c: {  	s31 =	sadd.s32 $0x80, s25;
	vm10 =	veq.s32 v9, v3;
	vm11 =	veq.s32 v9, v4;
	v10 =	vsel vm0, $0x3F800000, v1  }
0x15d: {  	vm12 =	veq.s32 v9, v5;
	vm14 =	veq.s32 v9, v7;
	v11 =	vsel vm1, $0x3F800000, v1;
	[tilespmem:s31+$0xFFFFFFC0] =	vst v10  }
0x15e: {  	vm13 =	veq.s32 v9, v6;
	vm15 =	veq.s32 v9, v8;
	v9 =	vsel vm14, $0x3F800000, v1;
	[tilespmem:s31+$0xFFFFFFD0] =	vst v11  }
0x15f: {  	v10 =	vsel vm10, $0x3F800000, v1;
	[tilespmem:s31+$0x20] =	vst v9  }
0x160: {  	v11 =	vsel vm11, $0x3F800000, v1;
	[tilespmem:s31+$0xFFFFFFE0] =	vst v10  }
0x161: {  	v10 =	vsel vm12, $0x3F800000, v1;
	[tilespmem:s31+$0xFFFFFFF0] =	vst v11  }
0x162: {  	v11 =	vsel vm13, $0x3F800000, v1;
	[tilespmem:s31+$0x0] =	vst v10  }
0x163: {  	[tilespmem:s31+$0x10] =	vst v11;
	v10 =	vsel vm15, $0x3F800000, v1  }
0x164: {  	s24 =	sadd.s32 $0x1, s24;
	[tilespmem:s31+$0x30] =	vst v10  }
0x165: {  	[spmem:s1] =	stream.indirect.scatter.add.f32 [tilespmem:s17], [sflag:$0x1], $0x80, s22, s15, $0xb8;
	[tilespmem:$0xA808] =	vst v63  }
0x166: {  	p1 =	sne.s32 s24, $0x5;
	_ =	swait.ge [sflag:s21], $0x2800  }
.Ltmp7:
0x167: {  	[sflag:s21] =	ssyncset.done $0x0;
	(pc) =	sbr.rel @p1 .LBB2_4-.Ltmp7, $4  }
0x168: {  	[sflag:s21] =	ssyncadd.s32 $0xFFFFD800  }
0x169: {  	_ =	swait.ge [sflag:s20], $0x2800  }
0x16a: {  	[sflag:s20] =	ssyncset.done $0x0  }
0x16b: {  	[sflag:s20] =	ssyncadd.s32 $0xFFFFD800  }
0x16c: {  	[bflag:$0x0] =	sbarrier.arrive $0xFFFF  }
0x16d: {  	s23 =	sshrl.u32 @!p0 s1, $0x3;
	s24 =	simm.s32 @!p0 $0x1C03;
	s2 =	sadd.s32 $0x1, s2  }
0x16e: {  	[hbm:s8], [sflag:s24] =	dma.local @!p0 [spmem:s23], $0x2710  }
0x16f: {  	p1 =	sne.s32 s2, s9  }
.Ltmp8:
0x170: {  	_ = 	snop;
	(pc) =	sbr.rel @p1 .LBB2_1-.Ltmp8, $4  }
0x171: {  	s23 =	simm.s32 @!p0 $0x3  }
0x172: {  	_ =	swait.ge @!p0 [sflag:s23], $0x2710  }
0x173: {  	[sflag:s23] =	ssyncset.done @!p0 $0x0  }
0x174: {  	[sflag:s23] =	ssyncadd.s32 @!p0 $0xFFFFD8F0  }
0x175: {  	_ =	sfence.sel $0x180000  }
0x176: {  	[bflag:$0x0] =	sbarrier.arrive $0xFFFF  }
0x177: {  	_ =	strace $0x90000047  }
0x178: {  	s0 =	sadd.s32 @!p0 $0x100000, s0;
	[bflag:$0x2] =	sbarrier.arrive $0xFFFF  }
0x179: {  	[sflag:s0] =	ssyncadd.tile.s32 @!p0 $0x1;
	_ =	shalt  }
.Lfunc_end2:
_tile_overlayer_lowered:
.L_overlay_start_2:
0x17a: {  	(tag) =	ssettag $0x2  }
0x17b: {  	s0 =	rddreg [dreg:$0x0];
	s2 =	stileid.u32  }
0x17c: {  	s1 =	rddreg [dreg:$0x1];
	p0 =	sne.s32 s2, $0x0  }
0x17d: {  	s3 =	rddreg [dreg:$0x2];
	[bflag:$0x3] =	sbarrier.arrive $0xFFFF;
	s2 =	simm.s32 @!p0 $0x1C03  }
0x17e: {  	[timem:s3], [sflag:s2] =	dma.local @!p0 [hbm:s0], s1  }
0x17f: {  	s0 =	simm.s32 @!p0 $0x3  }
0x180: {  	_ =	swait.ge @!p0 [sflag:s0], s1  }
0x181: {  	s1 =	ssub.s32 @!p0 $0x0, s1;
	[sflag:s0] =	ssyncset.done @!p0 $0x0  }
0x182: {  	[sflag:s0] =	ssyncadd.s32 @!p0 s1  }
0x183: {  	[bflag:$0x3] =	sbarrier.arrive $0xFFFF  }
0x184: {  	_ =	shalt  }

</sc_bundles>
